<compile_context>
chip_gen: v7x
topology: tpu7x:2x2x1
jax: 0.10.2.dev20260603
libtpu: 0.0.44.dev20260713+nightly
codegen_flags: <defaults>
</compile_context>

<pallas_src>
import functools

import jax
import jax.numpy as jnp
from jax import lax
from jax.experimental import pallas as pl
from jax.experimental.pallas import tpu as pltpu
from jax.experimental.pallas import tpu_sc as plsc

F = 26
B = 4096
D = 64
ROWS_PER_FIELD = 1000
N = B * F
NC = 2
NS = 16
NW = NC * NS
PER_W = N // NW
GSZ = 416
GPW = PER_W // GSZ
NBUF = 4

_mesh = plsc.VectorSubcoreMesh(core_axis_name="c", subcore_axis_name="s")


@functools.partial(
    pl.kernel,
    out_type=jax.ShapeDtypeStruct((NW, GPW, GSZ, D), jnp.float32),
    mesh=_mesh,
    compiler_params=pltpu.CompilerParams(use_tc_tiling_on_sc=False),
    scratch_types=(
        [pltpu.VMEM((GPW, GSZ), jnp.int32)]
        + [pltpu.VMEM((GSZ, D), jnp.float32)] * NBUF
        + [pltpu.SemaphoreType.DMA] * (2 * NBUF)
    ),
)
def _emb_lookup(x_hbm, table_hbm, out_hbm, idx_v, *bufs_sems):
    bufs = bufs_sems[:NBUF]
    gsems = bufs_sems[NBUF:2 * NBUF]
    wsems = bufs_sems[2 * NBUF:]
    wid = lax.axis_index("s") * NC + lax.axis_index("c")
    pltpu.sync_copy(x_hbm.at[wid], idx_v)

    def add_offsets(g):
        def _add(i, c, g=g):
            sl = pl.ds(i * 16, 16)
            pos = lax.iota(jnp.int32, 16) + (g * GSZ + i * 16)
            idx_v[g, sl] = idx_v[g, sl] + (pos % F) * ROWS_PER_FIELD
            return c
        lax.fori_loop(0, GSZ // 16, _add, 0)

    for g in range(min(NBUF, GPW)):
        add_offsets(g)
        pltpu.async_copy(table_hbm.at[idx_v.at[g]], bufs[g], gsems[g])

    for g in range(GPW):
        p = g % NBUF
        j = g - 1 + NBUF
        if g >= 1 and j < GPW:
            q = (g - 1) % NBUF
            add_offsets(j)
            pltpu.make_async_copy(bufs[q], out_hbm.at[wid, g - 1],
                                  wsems[q]).wait()
            pltpu.async_copy(table_hbm.at[idx_v.at[j]], bufs[q], gsems[q])
        pltpu.make_async_copy(table_hbm.at[idx_v.at[g]], bufs[p],
                              gsems[p]).wait()
        pltpu.async_copy(bufs[p], out_hbm.at[wid, g], wsems[p])

    for g in range(max(GPW - NBUF, 0), GPW):
        p = g % NBUF
        pltpu.make_async_copy(bufs[p], out_hbm.at[wid, g], wsems[p]).wait()


def kernel(x, table):
    x3 = x.astype(jnp.int32).reshape(NW, GPW, GSZ)
    out = _emb_lookup(x3, table)
    return out.reshape(B, F, D)

# --- scband reference (transcript-rebuilt; emitter-appended) ---
"""Pipeline reference for scband-features-embedding-11003706212544 (READ-ONLY COPY).

The authoritative reference and input builder live on the scoring server;
editing this copy changes nothing except your own understanding.
"""

import jax, jax.numpy as jnp
import numpy as np

FIELD_DIMS = [1000] * 26
EMBED_DIM = 64
BATCH = 4096
NUM_EMBEDDINGS = sum(FIELD_DIMS)
OFFSETS = np.array((0, *np.cumsum(FIELD_DIMS)[:-1]), dtype=np.int64)


def setup_inputs(seed: int = 0) -> dict:
    key = jax.random.key(seed)
    k1, k2 = jax.random.split(key)
    x = jax.random.randint(k1, (BATCH, len(FIELD_DIMS)), 0, 1000, dtype=jnp.int64 if jax.config.jax_enable_x64 else jnp.int32)
    table = jax.random.normal(k2, (NUM_EMBEDDINGS, EMBED_DIM), dtype=jnp.float32) * 0.02
    return {"x": x, "table": table}


def reference(x, table):
    # x: int[B, F]; add per-field offsets then gather rows from the shared table.
    offsets = jnp.asarray(OFFSETS, dtype=x.dtype)
    idx = x + offsets[None, :]
    # embedding lookup -> gather
    return jnp.take(table, idx, axis=0)  # [B, F, embed_dim]

if __name__ == "__main__":
    import jax
    _d = setup_inputs()
    print(jax.jit(kernel)(*tuple(_d.values())))

</pallas_src>

<mosaic_0001>
#map = affine_map<(d0, d1) -> (0, 0, 0)>
#map1 = affine_map<(d0, d1) -> (0, 0)>
#map2 = affine_map<(d0, d1) -> (0, 0, 0, 0)>
module attributes {stable_mosaic.version = 14 : i64} {
  func.func @_emb_lookup(%arg0: i32, %arg1: i32, %arg2: memref<32x8x416xi32, #tpu.memory_space<hbm>>, %arg3: memref<26000x64xf32, #tpu.memory_space<hbm>>, %arg4: memref<32x8x416x64xf32, #tpu.memory_space<hbm>>, %arg5: memref<8x416xi32, #tpu.memory_space<vmem>>, %arg6: memref<416x64xf32, #tpu.memory_space<vmem>>, %arg7: memref<416x64xf32, #tpu.memory_space<vmem>>, %arg8: memref<416x64xf32, #tpu.memory_space<vmem>>, %arg9: memref<416x64xf32, #tpu.memory_space<vmem>>, %arg10: memref<!tpu.dma_semaphore, #tpu.memory_space<semaphore_mem>>, %arg11: memref<!tpu.dma_semaphore, #tpu.memory_space<semaphore_mem>>, %arg12: memref<!tpu.dma_semaphore, #tpu.memory_space<semaphore_mem>>, %arg13: memref<!tpu.dma_semaphore, #tpu.memory_space<semaphore_mem>>, %arg14: memref<!tpu.dma_semaphore, #tpu.memory_space<semaphore_mem>>, %arg15: memref<!tpu.dma_semaphore, #tpu.memory_space<semaphore_mem>>, %arg16: memref<!tpu.dma_semaphore, #tpu.memory_space<semaphore_mem>>, %arg17: memref<!tpu.dma_semaphore, #tpu.memory_space<semaphore_mem>>) attributes {dimension_semantics = [#tpu.dimension_semantics<core_parallel>, #tpu.dimension_semantics<subcore_parallel>], iteration_bounds = array<i64: 2, 16>, scalar_prefetch = 0 : i64, scratch_operands = 13 : i64, tpu.core_type = #tpu.core_type<sc_vector_subcore>, window_params = [{transform_indices = #map}, {transform_indices = #map1}, {transform_indices = #map2}]} {
    %mul3A = arith.constant 2 : i32
    %mul3A_0 = arith.muli %arg1, %mul3A : i32
    %add3A = arith.addi %mul3A_0, %arg0 : i32
    "tpu.region"() ({
      %run_scoped3A = tpu.sem_alloc : memref<!tpu.dma_semaphore, #tpu.memory_space<semaphore_mem>>
      %dma_start3A_302 = arith.constant 0 : i32
      %dma_start3A_303 = arith.constant 0 : i32
      %dma_start3A_304 = tpu.memref_slice %arg2[%add3A, %dma_start3A_302, %dma_start3A_303] : memref<32x8x416xi32, #tpu.memory_space<hbm>> -> memref<1x8x416xi32, #tpu.memory_space<hbm>>
      %dma_start3A_305 = tpu.memref_squeeze %dma_start3A_304 : memref<1x8x416xi32, #tpu.memory_space<hbm>> -> memref<8x416xi32, #tpu.memory_space<hbm>>
      %dma_start3A_306 = arith.constant 0 : i32
      %dma_start3A_307 = arith.constant 0 : i32
      %dma_start3A_308 = tpu.memref_slice %arg2[%add3A, %dma_start3A_306, %dma_start3A_307] : memref<32x8x416xi32, #tpu.memory_space<hbm>> -> memref<1x8x416xi32, #tpu.memory_space<hbm>>
      %dma_start3A_309 = tpu.memref_squeeze %dma_start3A_308 : memref<1x8x416xi32, #tpu.memory_space<hbm>> -> memref<8x416xi32, #tpu.memory_space<hbm>>
      tpu.enqueue_dma source(%dma_start3A_309 : memref<8x416xi32, #tpu.memory_space<hbm>>) target(%arg5 : memref<8x416xi32, #tpu.memory_space<vmem>>) target_semaphore(%run_scoped3A : memref<!tpu.dma_semaphore, #tpu.memory_space<semaphore_mem>>)
      %dma_wait3A_310 = arith.constant 0 : i32
      %dma_wait3A_311 = arith.constant 0 : i32
      %dma_wait3A_312 = tpu.memref_slice %arg2[%add3A, %dma_wait3A_310, %dma_wait3A_311] : memref<32x8x416xi32, #tpu.memory_space<hbm>> -> memref<1x8x416xi32, #tpu.memory_space<hbm>>
      %dma_wait3A_313 = tpu.memref_squeeze %dma_wait3A_312 : memref<1x8x416xi32, #tpu.memory_space<hbm>> -> memref<8x416xi32, #tpu.memory_space<hbm>>
      %dma_wait3A_314 = arith.constant 0 : i32
      %dma_wait3A_315 = arith.constant 0 : i32
      %dma_wait3A_316 = tpu.memref_slice %arg2[%add3A, %dma_wait3A_314, %dma_wait3A_315] : memref<32x8x416xi32, #tpu.memory_space<hbm>> -> memref<1x8x416xi32, #tpu.memory_space<hbm>>
      %dma_wait3A_317 = tpu.memref_squeeze %dma_wait3A_316 : memref<1x8x416xi32, #tpu.memory_space<hbm>> -> memref<8x416xi32, #tpu.memory_space<hbm>>
      tpu.wait_dma2 semaphore(%run_scoped3A : memref<!tpu.dma_semaphore, #tpu.memory_space<semaphore_mem>>) src(%dma_wait3A_317 : memref<8x416xi32, #tpu.memory_space<hbm>>) dst(%arg5 : memref<8x416xi32, #tpu.memory_space<vmem>>)
      tpu.yield
    }) : () -> ()
    %scan3A = arith.constant 0 : i32
    %scan3A_1 = arith.constant 0 : i32
    %scan3A_2 = arith.constant 26 : i32
    %scan3A_3 = arith.addi %scan3A_1, %scan3A_2 : i32
    %scan3A_4 = arith.constant 1 : i32
    scf.for %scan3A_302 = %scan3A_1 to %scan3A_3 step %scan3A_4  : i32 {
      %mul3A_303 = arith.constant 16 : i32
      %mul3A_304 = arith.muli %scan3A_302, %mul3A_303 : i32
      %iota3A = tpu.iota {dimensions = array<i32: 0>} : vector<16xi32>
      %mul3A_305 = arith.constant 16 : i32
      %mul3A_306 = arith.muli %scan3A_302, %mul3A_305 : i32
      %add3A_307 = arith.constant 0 : i32
      %add3A_308 = arith.addi %add3A_307, %mul3A_306 : i32
      %add3A_309 = vector.broadcast %add3A_308 : i32 to vector<16xi32>
      %add3A_310 = arith.addi %iota3A, %add3A_309 : vector<16xi32>
      %get3A = arith.constant 0 : i32
      %get3A_311 = arith.index_cast %get3A : i32 to index
      %get3A_312 = arith.index_cast %mul3A_304 : i32 to index
      %get3A_313 = tpu.vector_load %arg5[%get3A_311, %get3A_312] {strides = array<i32>} : memref<8x416xi32, #tpu.memory_space<vmem>>, vector<1x16xi32>,
      %get3A_314 = vector.shape_cast %get3A_313 : vector<1x16xi32> to vector<16xi32>
      %jit3A = arith.constant 26 : i32
      %eq3A = arith.constant 0 : i32
      %eq3A_315 = arith.cmpi eq, %jit3A, %eq3A : i32
      %jit3A_316 = arith.constant 1 : i32
      %select_n3A = arith.select %eq3A_315, %jit3A_316, %jit3A : i32
      %rem3A = vector.broadcast %select_n3A : i32 to vector<16xi32>
      %rem3A_317 = arith.remsi %add3A_310, %rem3A : vector<16xi32>
      %ne3A = arith.constant 0 : i32
      %ne3A_318 = vector.broadcast %ne3A : i32 to vector<16xi32>
      %ne3A_319 = arith.cmpi ne, %rem3A_317, %ne3A_318 : vector<16xi32>
      %lt3A = arith.constant 0 : i32
      %lt3A_320 = vector.broadcast %lt3A : i32 to vector<16xi32>
      %lt3A_321 = arith.cmpi slt, %rem3A_317, %lt3A_320 : vector<16xi32>
      %lt3A_322 = arith.constant 0 : i32
      %lt3A_323 = arith.cmpi slt, %select_n3A, %lt3A_322 : i32
      %ne3A_324 = vector.broadcast %lt3A_323 : i1 to vector<16xi1>
      %ne3A_325 = vector.broadcast %ne3A_324 : vector<16xi1> to vector<16xi1>
      %ne3A_326 = arith.xori %lt3A_321, %ne3A_325 : vector<16xi1>
      %and3A = arith.andi %ne3A_326, %ne3A_319 : vector<16xi1>
      %add3A_327 = vector.broadcast %select_n3A : i32 to vector<16xi32>
      %add3A_328 = arith.addi %rem3A_317, %add3A_327 : vector<16xi32>
      %select_n3A_329 = arith.select %and3A, %add3A_328, %rem3A_317 : vector<16xi1>, vector<16xi32>
      %mul3A_330 = arith.constant 1000 : i32
      %mul3A_331 = vector.broadcast %mul3A_330 : i32 to vector<16xi32>
      %mul3A_332 = arith.muli %select_n3A_329, %mul3A_331 : vector<16xi32>
      %add3A_333 = arith.addi %get3A_314, %mul3A_332 : vector<16xi32>
      %swap3A = arith.constant 0 : i32
      %swap3A_334 = arith.index_cast %swap3A : i32 to index
      %swap3A_335 = arith.index_cast %mul3A_304 : i32 to index
      %swap3A_336 = tpu.vector_load %arg5[%swap3A_334, %swap3A_335] {strides = array<i32>} : memref<8x416xi32, #tpu.memory_space<vmem>>, vector<1x16xi32>,
      %swap3A_337 = vector.shape_cast %swap3A_336 : vector<1x16xi32> to vector<16xi32>
      %swap3A_338 = vector.shape_cast %add3A_333 : vector<16xi32> to vector<1x16xi32>
      tpu.vector_store %arg5[%swap3A_334, %swap3A_335], %swap3A_338 {strides = array<i32>} : memref<8x416xi32, #tpu.memory_space<vmem>>, vector<1x16xi32>,
    }
    %scan3A_5 = arith.constant 26 : i32
    %dma_start3A = arith.constant 0 : i32
    %dma_start3A_6 = arith.constant 0 : i32
    %dma_start3A_7 = tpu.memref_slice %arg5[%dma_start3A, %dma_start3A_6] : memref<8x416xi32, #tpu.memory_space<vmem>> -> memref<1x416xi32, #tpu.memory_space<vmem>>
    %dma_start3A_8 = tpu.memref_squeeze %dma_start3A_7 : memref<1x416xi32, #tpu.memory_space<vmem>> -> memref<416xi32, #tpu.memory_space<vmem>>
    %dma_start3A_9 = arith.constant 0 : i32
    %dma_start3A_10 = arith.constant 0 : i32
    %dma_start3A_11 = tpu.memref_slice %arg3[%dma_start3A_9, %dma_start3A_10] : memref<26000x64xf32, #tpu.memory_space<hbm>> -> memref<26000x64xf32, #tpu.memory_space<hbm>>
    tpu.enqueue_indirect_dma source(%dma_start3A_11 : memref<26000x64xf32, #tpu.memory_space<hbm>>) target(%arg6 : memref<416x64xf32, #tpu.memory_space<vmem>>) offsets(%dma_start3A_8 : memref<416xi32, #tpu.memory_space<vmem>>) semaphore(%arg10 : memref<!tpu.dma_semaphore, #tpu.memory_space<semaphore_mem>>)
    %scan3A_12 = arith.constant 0 : i32
    %scan3A_13 = arith.constant 0 : i32
    %scan3A_14 = arith.constant 26 : i32
    %scan3A_15 = arith.addi %scan3A_13, %scan3A_14 : i32
    %scan3A_16 = arith.constant 1 : i32
    scf.for %scan3A_302 = %scan3A_13 to %scan3A_15 step %scan3A_16  : i32 {
      %mul3A_303 = arith.constant 16 : i32
      %mul3A_304 = arith.muli %scan3A_302, %mul3A_303 : i32
      %iota3A = tpu.iota {dimensions = array<i32: 0>} : vector<16xi32>
      %mul3A_305 = arith.constant 16 : i32
      %mul3A_306 = arith.muli %scan3A_302, %mul3A_305 : i32
      %add3A_307 = arith.constant 416 : i32
      %add3A_308 = arith.addi %add3A_307, %mul3A_306 : i32
      %add3A_309 = vector.broadcast %add3A_308 : i32 to vector<16xi32>
      %add3A_310 = arith.addi %iota3A, %add3A_309 : vector<16xi32>
      %get3A = arith.constant 1 : i32
      %get3A_311 = arith.index_cast %get3A : i32 to index
      %get3A_312 = arith.index_cast %mul3A_304 : i32 to index
      %get3A_313 = tpu.vector_load %arg5[%get3A_311, %get3A_312] {strides = array<i32>} : memref<8x416xi32, #tpu.memory_space<vmem>>, vector<1x16xi32>,
      %get3A_314 = vector.shape_cast %get3A_313 : vector<1x16xi32> to vector<16xi32>
      %jit3A = arith.constant 26 : i32
      %eq3A = arith.constant 0 : i32
      %eq3A_315 = arith.cmpi eq, %jit3A, %eq3A : i32
      %jit3A_316 = arith.constant 1 : i32
      %select_n3A = arith.select %eq3A_315, %jit3A_316, %jit3A : i32
      %rem3A = vector.broadcast %select_n3A : i32 to vector<16xi32>
      %rem3A_317 = arith.remsi %add3A_310, %rem3A : vector<16xi32>
      %ne3A = arith.constant 0 : i32
      %ne3A_318 = vector.broadcast %ne3A : i32 to vector<16xi32>
      %ne3A_319 = arith.cmpi ne, %rem3A_317, %ne3A_318 : vector<16xi32>
      %lt3A = arith.constant 0 : i32
      %lt3A_320 = vector.broadcast %lt3A : i32 to vector<16xi32>
      %lt3A_321 = arith.cmpi slt, %rem3A_317, %lt3A_320 : vector<16xi32>
      %lt3A_322 = arith.constant 0 : i32
      %lt3A_323 = arith.cmpi slt, %select_n3A, %lt3A_322 : i32
      %ne3A_324 = vector.broadcast %lt3A_323 : i1 to vector<16xi1>
      %ne3A_325 = vector.broadcast %ne3A_324 : vector<16xi1> to vector<16xi1>
      %ne3A_326 = arith.xori %lt3A_321, %ne3A_325 : vector<16xi1>
      %and3A = arith.andi %ne3A_326, %ne3A_319 : vector<16xi1>
      %add3A_327 = vector.broadcast %select_n3A : i32 to vector<16xi32>
      %add3A_328 = arith.addi %rem3A_317, %add3A_327 : vector<16xi32>
      %select_n3A_329 = arith.select %and3A, %add3A_328, %rem3A_317 : vector<16xi1>, vector<16xi32>
      %mul3A_330 = arith.constant 1000 : i32
      %mul3A_331 = vector.broadcast %mul3A_330 : i32 to vector<16xi32>
      %mul3A_332 = arith.muli %select_n3A_329, %mul3A_331 : vector<16xi32>
      %add3A_333 = arith.addi %get3A_314, %mul3A_332 : vector<16xi32>
      %swap3A = arith.constant 1 : i32
      %swap3A_334 = arith.index_cast %swap3A : i32 to index
      %swap3A_335 = arith.index_cast %mul3A_304 : i32 to index
      %swap3A_336 = tpu.vector_load %arg5[%swap3A_334, %swap3A_335] {strides = array<i32>} : memref<8x416xi32, #tpu.memory_space<vmem>>, vector<1x16xi32>,
      %swap3A_337 = vector.shape_cast %swap3A_336 : vector<1x16xi32> to vector<16xi32>
      %swap3A_338 = vector.shape_cast %add3A_333 : vector<16xi32> to vector<1x16xi32>
      tpu.vector_store %arg5[%swap3A_334, %swap3A_335], %swap3A_338 {strides = array<i32>} : memref<8x416xi32, #tpu.memory_space<vmem>>, vector<1x16xi32>,
    }
    %scan3A_17 = arith.constant 26 : i32
    %dma_start3A_18 = arith.constant 1 : i32
    %dma_start3A_19 = arith.constant 0 : i32
    %dma_start3A_20 = tpu.memref_slice %arg5[%dma_start3A_18, %dma_start3A_19] : memref<8x416xi32, #tpu.memory_space<vmem>> -> memref<1x416xi32, #tpu.memory_space<vmem>>
    %dma_start3A_21 = tpu.memref_squeeze %dma_start3A_20 : memref<1x416xi32, #tpu.memory_space<vmem>> -> memref<416xi32, #tpu.memory_space<vmem>>
    %dma_start3A_22 = arith.constant 0 : i32
    %dma_start3A_23 = arith.constant 0 : i32
    %dma_start3A_24 = tpu.memref_slice %arg3[%dma_start3A_22, %dma_start3A_23] : memref<26000x64xf32, #tpu.memory_space<hbm>> -> memref<26000x64xf32, #tpu.memory_space<hbm>>
    tpu.enqueue_indirect_dma source(%dma_start3A_24 : memref<26000x64xf32, #tpu.memory_space<hbm>>) target(%arg7 : memref<416x64xf32, #tpu.memory_space<vmem>>) offsets(%dma_start3A_21 : memref<416xi32, #tpu.memory_space<vmem>>) semaphore(%arg11 : memref<!tpu.dma_semaphore, #tpu.memory_space<semaphore_mem>>)
    %scan3A_25 = arith.constant 0 : i32
    %scan3A_26 = arith.constant 0 : i32
    %scan3A_27 = arith.constant 26 : i32
    %scan3A_28 = arith.addi %scan3A_26, %scan3A_27 : i32
    %scan3A_29 = arith.constant 1 : i32
    scf.for %scan3A_302 = %scan3A_26 to %scan3A_28 step %scan3A_29  : i32 {
      %mul3A_303 = arith.constant 16 : i32
      %mul3A_304 = arith.muli %scan3A_302, %mul3A_303 : i32
      %iota3A = tpu.iota {dimensions = array<i32: 0>} : vector<16xi32>
      %mul3A_305 = arith.constant 16 : i32
      %mul3A_306 = arith.muli %scan3A_302, %mul3A_305 : i32
      %add3A_307 = arith.constant 832 : i32
      %add3A_308 = arith.addi %add3A_307, %mul3A_306 : i32
      %add3A_309 = vector.broadcast %add3A_308 : i32 to vector<16xi32>
      %add3A_310 = arith.addi %iota3A, %add3A_309 : vector<16xi32>
      %get3A = arith.constant 2 : i32
      %get3A_311 = arith.index_cast %get3A : i32 to index
      %get3A_312 = arith.index_cast %mul3A_304 : i32 to index
      %get3A_313 = tpu.vector_load %arg5[%get3A_311, %get3A_312] {strides = array<i32>} : memref<8x416xi32, #tpu.memory_space<vmem>>, vector<1x16xi32>,
      %get3A_314 = vector.shape_cast %get3A_313 : vector<1x16xi32> to vector<16xi32>
      %jit3A = arith.constant 26 : i32
      %eq3A = arith.constant 0 : i32
      %eq3A_315 = arith.cmpi eq, %jit3A, %eq3A : i32
      %jit3A_316 = arith.constant 1 : i32
      %select_n3A = arith.select %eq3A_315, %jit3A_316, %jit3A : i32
      %rem3A = vector.broadcast %select_n3A : i32 to vector<16xi32>
      %rem3A_317 = arith.remsi %add3A_310, %rem3A : vector<16xi32>
      %ne3A = arith.constant 0 : i32
      %ne3A_318 = vector.broadcast %ne3A : i32 to vector<16xi32>
      %ne3A_319 = arith.cmpi ne, %rem3A_317, %ne3A_318 : vector<16xi32>
      %lt3A = arith.constant 0 : i32
      %lt3A_320 = vector.broadcast %lt3A : i32 to vector<16xi32>
      %lt3A_321 = arith.cmpi slt, %rem3A_317, %lt3A_320 : vector<16xi32>
      %lt3A_322 = arith.constant 0 : i32
      %lt3A_323 = arith.cmpi slt, %select_n3A, %lt3A_322 : i32
      %ne3A_324 = vector.broadcast %lt3A_323 : i1 to vector<16xi1>
      %ne3A_325 = vector.broadcast %ne3A_324 : vector<16xi1> to vector<16xi1>
      %ne3A_326 = arith.xori %lt3A_321, %ne3A_325 : vector<16xi1>
      %and3A = arith.andi %ne3A_326, %ne3A_319 : vector<16xi1>
      %add3A_327 = vector.broadcast %select_n3A : i32 to vector<16xi32>
      %add3A_328 = arith.addi %rem3A_317, %add3A_327 : vector<16xi32>
      %select_n3A_329 = arith.select %and3A, %add3A_328, %rem3A_317 : vector<16xi1>, vector<16xi32>
      %mul3A_330 = arith.constant 1000 : i32
      %mul3A_331 = vector.broadcast %mul3A_330 : i32 to vector<16xi32>
      %mul3A_332 = arith.muli %select_n3A_329, %mul3A_331 : vector<16xi32>
      %add3A_333 = arith.addi %get3A_314, %mul3A_332 : vector<16xi32>
      %swap3A = arith.constant 2 : i32
      %swap3A_334 = arith.index_cast %swap3A : i32 to index
      %swap3A_335 = arith.index_cast %mul3A_304 : i32 to index
      %swap3A_336 = tpu.vector_load %arg5[%swap3A_334, %swap3A_335] {strides = array<i32>} : memref<8x416xi32, #tpu.memory_space<vmem>>, vector<1x16xi32>,
      %swap3A_337 = vector.shape_cast %swap3A_336 : vector<1x16xi32> to vector<16xi32>
      %swap3A_338 = vector.shape_cast %add3A_333 : vector<16xi32> to vector<1x16xi32>
      tpu.vector_store %arg5[%swap3A_334, %swap3A_335], %swap3A_338 {strides = array<i32>} : memref<8x416xi32, #tpu.memory_space<vmem>>, vector<1x16xi32>,
    }
    %scan3A_30 = arith.constant 26 : i32
    %dma_start3A_31 = arith.constant 2 : i32
    %dma_start3A_32 = arith.constant 0 : i32
    %dma_start3A_33 = tpu.memref_slice %arg5[%dma_start3A_31, %dma_start3A_32] : memref<8x416xi32, #tpu.memory_space<vmem>> -> memref<1x416xi32, #tpu.memory_space<vmem>>
    %dma_start3A_34 = tpu.memref_squeeze %dma_start3A_33 : memref<1x416xi32, #tpu.memory_space<vmem>> -> memref<416xi32, #tpu.memory_space<vmem>>
    %dma_start3A_35 = arith.constant 0 : i32
    %dma_start3A_36 = arith.constant 0 : i32
    %dma_start3A_37 = tpu.memref_slice %arg3[%dma_start3A_35, %dma_start3A_36] : memref<26000x64xf32, #tpu.memory_space<hbm>> -> memref<26000x64xf32, #tpu.memory_space<hbm>>
    tpu.enqueue_indirect_dma source(%dma_start3A_37 : memref<26000x64xf32, #tpu.memory_space<hbm>>) target(%arg8 : memref<416x64xf32, #tpu.memory_space<vmem>>) offsets(%dma_start3A_34 : memref<416xi32, #tpu.memory_space<vmem>>) semaphore(%arg12 : memref<!tpu.dma_semaphore, #tpu.memory_space<semaphore_mem>>)
    %scan3A_38 = arith.constant 0 : i32
    %scan3A_39 = arith.constant 0 : i32
    %scan3A_40 = arith.constant 26 : i32
    %scan3A_41 = arith.addi %scan3A_39, %scan3A_40 : i32
    %scan3A_42 = arith.constant 1 : i32
    scf.for %scan3A_302 = %scan3A_39 to %scan3A_41 step %scan3A_42  : i32 {
      %mul3A_303 = arith.constant 16 : i32
      %mul3A_304 = arith.muli %scan3A_302, %mul3A_303 : i32
      %iota3A = tpu.iota {dimensions = array<i32: 0>} : vector<16xi32>
      %mul3A_305 = arith.constant 16 : i32
      %mul3A_306 = arith.muli %scan3A_302, %mul3A_305 : i32
      %add3A_307 = arith.constant 1248 : i32
      %add3A_308 = arith.addi %add3A_307, %mul3A_306 : i32
      %add3A_309 = vector.broadcast %add3A_308 : i32 to vector<16xi32>
      %add3A_310 = arith.addi %iota3A, %add3A_309 : vector<16xi32>
      %get3A = arith.constant 3 : i32
      %get3A_311 = arith.index_cast %get3A : i32 to index
      %get3A_312 = arith.index_cast %mul3A_304 : i32 to index
      %get3A_313 = tpu.vector_load %arg5[%get3A_311, %get3A_312] {strides = array<i32>} : memref<8x416xi32, #tpu.memory_space<vmem>>, vector<1x16xi32>,
      %get3A_314 = vector.shape_cast %get3A_313 : vector<1x16xi32> to vector<16xi32>
      %jit3A = arith.constant 26 : i32
      %eq3A = arith.constant 0 : i32
      %eq3A_315 = arith.cmpi eq, %jit3A, %eq3A : i32
      %jit3A_316 = arith.constant 1 : i32
      %select_n3A = arith.select %eq3A_315, %jit3A_316, %jit3A : i32
      %rem3A = vector.broadcast %select_n3A : i32 to vector<16xi32>
      %rem3A_317 = arith.remsi %add3A_310, %rem3A : vector<16xi32>
      %ne3A = arith.constant 0 : i32
      %ne3A_318 = vector.broadcast %ne3A : i32 to vector<16xi32>
      %ne3A_319 = arith.cmpi ne, %rem3A_317, %ne3A_318 : vector<16xi32>
      %lt3A = arith.constant 0 : i32
      %lt3A_320 = vector.broadcast %lt3A : i32 to vector<16xi32>
      %lt3A_321 = arith.cmpi slt, %rem3A_317, %lt3A_320 : vector<16xi32>
      %lt3A_322 = arith.constant 0 : i32
      %lt3A_323 = arith.cmpi slt, %select_n3A, %lt3A_322 : i32
      %ne3A_324 = vector.broadcast %lt3A_323 : i1 to vector<16xi1>
      %ne3A_325 = vector.broadcast %ne3A_324 : vector<16xi1> to vector<16xi1>
      %ne3A_326 = arith.xori %lt3A_321, %ne3A_325 : vector<16xi1>
      %and3A = arith.andi %ne3A_326, %ne3A_319 : vector<16xi1>
      %add3A_327 = vector.broadcast %select_n3A : i32 to vector<16xi32>
      %add3A_328 = arith.addi %rem3A_317, %add3A_327 : vector<16xi32>
      %select_n3A_329 = arith.select %and3A, %add3A_328, %rem3A_317 : vector<16xi1>, vector<16xi32>
      %mul3A_330 = arith.constant 1000 : i32
      %mul3A_331 = vector.broadcast %mul3A_330 : i32 to vector<16xi32>
      %mul3A_332 = arith.muli %select_n3A_329, %mul3A_331 : vector<16xi32>
      %add3A_333 = arith.addi %get3A_314, %mul3A_332 : vector<16xi32>
      %swap3A = arith.constant 3 : i32
      %swap3A_334 = arith.index_cast %swap3A : i32 to index
      %swap3A_335 = arith.index_cast %mul3A_304 : i32 to index
      %swap3A_336 = tpu.vector_load %arg5[%swap3A_334, %swap3A_335] {strides = array<i32>} : memref<8x416xi32, #tpu.memory_space<vmem>>, vector<1x16xi32>,
      %swap3A_337 = vector.shape_cast %swap3A_336 : vector<1x16xi32> to vector<16xi32>
      %swap3A_338 = vector.shape_cast %add3A_333 : vector<16xi32> to vector<1x16xi32>
      tpu.vector_store %arg5[%swap3A_334, %swap3A_335], %swap3A_338 {strides = array<i32>} : memref<8x416xi32, #tpu.memory_space<vmem>>, vector<1x16xi32>,
    }
    %scan3A_43 = arith.constant 26 : i32
    %dma_start3A_44 = arith.constant 3 : i32
    %dma_start3A_45 = arith.constant 0 : i32
    %dma_start3A_46 = tpu.memref_slice %arg5[%dma_start3A_44, %dma_start3A_45] : memref<8x416xi32, #tpu.memory_space<vmem>> -> memref<1x416xi32, #tpu.memory_space<vmem>>
    %dma_start3A_47 = tpu.memref_squeeze %dma_start3A_46 : memref<1x416xi32, #tpu.memory_space<vmem>> -> memref<416xi32, #tpu.memory_space<vmem>>
    %dma_start3A_48 = arith.constant 0 : i32
    %dma_start3A_49 = arith.constant 0 : i32
    %dma_start3A_50 = tpu.memref_slice %arg3[%dma_start3A_48, %dma_start3A_49] : memref<26000x64xf32, #tpu.memory_space<hbm>> -> memref<26000x64xf32, #tpu.memory_space<hbm>>
    tpu.enqueue_indirect_dma source(%dma_start3A_50 : memref<26000x64xf32, #tpu.memory_space<hbm>>) target(%arg9 : memref<416x64xf32, #tpu.memory_space<vmem>>) offsets(%dma_start3A_47 : memref<416xi32, #tpu.memory_space<vmem>>) semaphore(%arg13 : memref<!tpu.dma_semaphore, #tpu.memory_space<semaphore_mem>>)
    %dma_wait3A = arith.constant 0 : i32
    %dma_wait3A_51 = arith.constant 0 : i32
    %dma_wait3A_52 = tpu.memref_slice %arg5[%dma_wait3A, %dma_wait3A_51] : memref<8x416xi32, #tpu.memory_space<vmem>> -> memref<1x416xi32, #tpu.memory_space<vmem>>
    %dma_wait3A_53 = tpu.memref_squeeze %dma_wait3A_52 : memref<1x416xi32, #tpu.memory_space<vmem>> -> memref<416xi32, #tpu.memory_space<vmem>>
    %dma_wait3A_54 = arith.constant 0 : i32
    %dma_wait3A_55 = arith.constant 0 : i32
    %dma_wait3A_56 = tpu.memref_slice %arg3[%dma_wait3A_54, %dma_wait3A_55] : memref<26000x64xf32, #tpu.memory_space<hbm>> -> memref<26000x64xf32, #tpu.memory_space<hbm>>
    tpu.wait_indirect_dma semaphore(%arg10 : memref<!tpu.dma_semaphore, #tpu.memory_space<semaphore_mem>>) src(%dma_wait3A_56 : memref<26000x64xf32, #tpu.memory_space<hbm>>) dst(%arg6 : memref<416x64xf32, #tpu.memory_space<vmem>>)
    %dma_start3A_57 = arith.constant 0 : i32
    %dma_start3A_58 = arith.constant 0 : i32
    %dma_start3A_59 = arith.constant 0 : i32
    %dma_start3A_60 = tpu.memref_slice %arg4[%add3A, %dma_start3A_57, %dma_start3A_58, %dma_start3A_59] : memref<32x8x416x64xf32, #tpu.memory_space<hbm>> -> memref<1x1x416x64xf32, #tpu.memory_space<hbm>>
    %dma_start3A_61 = tpu.memref_squeeze %dma_start3A_60 : memref<1x1x416x64xf32, #tpu.memory_space<hbm>> -> memref<416x64xf32, #tpu.memory_space<hbm>>
    %dma_start3A_62 = arith.constant 0 : i32
    %dma_start3A_63 = arith.constant 0 : i32
    %dma_start3A_64 = tpu.memref_slice %arg4[%add3A, %dma_start3A_57, %dma_start3A_62, %dma_start3A_63] : memref<32x8x416x64xf32, #tpu.memory_space<hbm>> -> memref<1x1x416x64xf32, #tpu.memory_space<hbm>>
    %dma_start3A_65 = tpu.memref_squeeze %dma_start3A_64 : memref<1x1x416x64xf32, #tpu.memory_space<hbm>> -> memref<416x64xf32, #tpu.memory_space<hbm>>
    tpu.enqueue_dma source(%arg6 : memref<416x64xf32, #tpu.memory_space<vmem>>) target(%dma_start3A_65 : memref<416x64xf32, #tpu.memory_space<hbm>>) target_semaphore(%arg14 : memref<!tpu.dma_semaphore, #tpu.memory_space<semaphore_mem>>)
    %scan3A_66 = arith.constant 0 : i32
    %scan3A_67 = arith.constant 0 : i32
    %scan3A_68 = arith.constant 26 : i32
    %scan3A_69 = arith.addi %scan3A_67, %scan3A_68 : i32
    %scan3A_70 = arith.constant 1 : i32
    scf.for %scan3A_302 = %scan3A_67 to %scan3A_69 step %scan3A_70  : i32 {
      %mul3A_303 = arith.constant 16 : i32
      %mul3A_304 = arith.muli %scan3A_302, %mul3A_303 : i32
      %iota3A = tpu.iota {dimensions = array<i32: 0>} : vector<16xi32>
      %mul3A_305 = arith.constant 16 : i32
      %mul3A_306 = arith.muli %scan3A_302, %mul3A_305 : i32
      %add3A_307 = arith.constant 1664 : i32
      %add3A_308 = arith.addi %add3A_307, %mul3A_306 : i32
      %add3A_309 = vector.broadcast %add3A_308 : i32 to vector<16xi32>
      %add3A_310 = arith.addi %iota3A, %add3A_309 : vector<16xi32>
      %get3A = arith.constant 4 : i32
      %get3A_311 = arith.index_cast %get3A : i32 to index
      %get3A_312 = arith.index_cast %mul3A_304 : i32 to index
      %get3A_313 = tpu.vector_load %arg5[%get3A_311, %get3A_312] {strides = array<i32>} : memref<8x416xi32, #tpu.memory_space<vmem>>, vector<1x16xi32>,
      %get3A_314 = vector.shape_cast %get3A_313 : vector<1x16xi32> to vector<16xi32>
      %jit3A = arith.constant 26 : i32
      %eq3A = arith.constant 0 : i32
      %eq3A_315 = arith.cmpi eq, %jit3A, %eq3A : i32
      %jit3A_316 = arith.constant 1 : i32
      %select_n3A = arith.select %eq3A_315, %jit3A_316, %jit3A : i32
      %rem3A = vector.broadcast %select_n3A : i32 to vector<16xi32>
      %rem3A_317 = arith.remsi %add3A_310, %rem3A : vector<16xi32>
      %ne3A = arith.constant 0 : i32
      %ne3A_318 = vector.broadcast %ne3A : i32 to vector<16xi32>
      %ne3A_319 = arith.cmpi ne, %rem3A_317, %ne3A_318 : vector<16xi32>
      %lt3A = arith.constant 0 : i32
      %lt3A_320 = vector.broadcast %lt3A : i32 to vector<16xi32>
      %lt3A_321 = arith.cmpi slt, %rem3A_317, %lt3A_320 : vector<16xi32>
      %lt3A_322 = arith.constant 0 : i32
      %lt3A_323 = arith.cmpi slt, %select_n3A, %lt3A_322 : i32
      %ne3A_324 = vector.broadcast %lt3A_323 : i1 to vector<16xi1>
      %ne3A_325 = vector.broadcast %ne3A_324 : vector<16xi1> to vector<16xi1>
      %ne3A_326 = arith.xori %lt3A_321, %ne3A_325 : vector<16xi1>
      %and3A = arith.andi %ne3A_326, %ne3A_319 : vector<16xi1>
      %add3A_327 = vector.broadcast %select_n3A : i32 to vector<16xi32>
      %add3A_328 = arith.addi %rem3A_317, %add3A_327 : vector<16xi32>
      %select_n3A_329 = arith.select %and3A, %add3A_328, %rem3A_317 : vector<16xi1>, vector<16xi32>
      %mul3A_330 = arith.constant 1000 : i32
      %mul3A_331 = vector.broadcast %mul3A_330 : i32 to vector<16xi32>
      %mul3A_332 = arith.muli %select_n3A_329, %mul3A_331 : vector<16xi32>
      %add3A_333 = arith.addi %get3A_314, %mul3A_332 : vector<16xi32>
      %swap3A = arith.constant 4 : i32
      %swap3A_334 = arith.index_cast %swap3A : i32 to index
      %swap3A_335 = arith.index_cast %mul3A_304 : i32 to index
      %swap3A_336 = tpu.vector_load %arg5[%swap3A_334, %swap3A_335] {strides = array<i32>} : memref<8x416xi32, #tpu.memory_space<vmem>>, vector<1x16xi32>,
      %swap3A_337 = vector.shape_cast %swap3A_336 : vector<1x16xi32> to vector<16xi32>
      %swap3A_338 = vector.shape_cast %add3A_333 : vector<16xi32> to vector<1x16xi32>
      tpu.vector_store %arg5[%swap3A_334, %swap3A_335], %swap3A_338 {strides = array<i32>} : memref<8x416xi32, #tpu.memory_space<vmem>>, vector<1x16xi32>,
    }
    %scan3A_71 = arith.constant 26 : i32
    %dma_wait3A_72 = arith.constant 0 : i32
    %dma_wait3A_73 = arith.constant 0 : i32
    %dma_wait3A_74 = arith.constant 0 : i32
    %dma_wait3A_75 = tpu.memref_slice %arg4[%add3A, %dma_wait3A_72, %dma_wait3A_73, %dma_wait3A_74] : memref<32x8x416x64xf32, #tpu.memory_space<hbm>> -> memref<1x1x416x64xf32, #tpu.memory_space<hbm>>
    %dma_wait3A_76 = tpu.memref_squeeze %dma_wait3A_75 : memref<1x1x416x64xf32, #tpu.memory_space<hbm>> -> memref<416x64xf32, #tpu.memory_space<hbm>>
    %dma_wait3A_77 = arith.constant 0 : i32
    %dma_wait3A_78 = arith.constant 0 : i32
    %dma_wait3A_79 = tpu.memref_slice %arg4[%add3A, %dma_wait3A_72, %dma_wait3A_77, %dma_wait3A_78] : memref<32x8x416x64xf32, #tpu.memory_space<hbm>> -> memref<1x1x416x64xf32, #tpu.memory_space<hbm>>
    %dma_wait3A_80 = tpu.memref_squeeze %dma_wait3A_79 : memref<1x1x416x64xf32, #tpu.memory_space<hbm>> -> memref<416x64xf32, #tpu.memory_space<hbm>>
    tpu.wait_dma2 semaphore(%arg14 : memref<!tpu.dma_semaphore, #tpu.memory_space<semaphore_mem>>) src(%arg6 : memref<416x64xf32, #tpu.memory_space<vmem>>) dst(%dma_wait3A_80 : memref<416x64xf32, #tpu.memory_space<hbm>>)
    %dma_start3A_81 = arith.constant 4 : i32
    %dma_start3A_82 = arith.constant 0 : i32
    %dma_start3A_83 = tpu.memref_slice %arg5[%dma_start3A_81, %dma_start3A_82] : memref<8x416xi32, #tpu.memory_space<vmem>> -> memref<1x416xi32, #tpu.memory_space<vmem>>
    %dma_start3A_84 = tpu.memref_squeeze %dma_start3A_83 : memref<1x416xi32, #tpu.memory_space<vmem>> -> memref<416xi32, #tpu.memory_space<vmem>>
    %dma_start3A_85 = arith.constant 0 : i32
    %dma_start3A_86 = arith.constant 0 : i32
    %dma_start3A_87 = tpu.memref_slice %arg3[%dma_start3A_85, %dma_start3A_86] : memref<26000x64xf32, #tpu.memory_space<hbm>> -> memref<26000x64xf32, #tpu.memory_space<hbm>>
    tpu.enqueue_indirect_dma source(%dma_start3A_87 : memref<26000x64xf32, #tpu.memory_space<hbm>>) target(%arg6 : memref<416x64xf32, #tpu.memory_space<vmem>>) offsets(%dma_start3A_84 : memref<416xi32, #tpu.memory_space<vmem>>) semaphore(%arg10 : memref<!tpu.dma_semaphore, #tpu.memory_space<semaphore_mem>>)
    %dma_wait3A_88 = arith.constant 1 : i32
    %dma_wait3A_89 = arith.constant 0 : i32
    %dma_wait3A_90 = tpu.memref_slice %arg5[%dma_wait3A_88, %dma_wait3A_89] : memref<8x416xi32, #tpu.memory_space<vmem>> -> memref<1x416xi32, #tpu.memory_space<vmem>>
    %dma_wait3A_91 = tpu.memref_squeeze %dma_wait3A_90 : memref<1x416xi32, #tpu.memory_space<vmem>> -> memref<416xi32, #tpu.memory_space<vmem>>
    %dma_wait3A_92 = arith.constant 0 : i32
    %dma_wait3A_93 = arith.constant 0 : i32
    %dma_wait3A_94 = tpu.memref_slice %arg3[%dma_wait3A_92, %dma_wait3A_93] : memref<26000x64xf32, #tpu.memory_space<hbm>> -> memref<26000x64xf32, #tpu.memory_space<hbm>>
    tpu.wait_indirect_dma semaphore(%arg11 : memref<!tpu.dma_semaphore, #tpu.memory_space<semaphore_mem>>) src(%dma_wait3A_94 : memref<26000x64xf32, #tpu.memory_space<hbm>>) dst(%arg7 : memref<416x64xf32, #tpu.memory_space<vmem>>)
    %dma_start3A_95 = arith.constant 1 : i32
    %dma_start3A_96 = arith.constant 0 : i32
    %dma_start3A_97 = arith.constant 0 : i32
    %dma_start3A_98 = tpu.memref_slice %arg4[%add3A, %dma_start3A_95, %dma_start3A_96, %dma_start3A_97] : memref<32x8x416x64xf32, #tpu.memory_space<hbm>> -> memref<1x1x416x64xf32, #tpu.memory_space<hbm>>
    %dma_start3A_99 = tpu.memref_squeeze %dma_start3A_98 : memref<1x1x416x64xf32, #tpu.memory_space<hbm>> -> memref<416x64xf32, #tpu.memory_space<hbm>>
    %dma_start3A_100 = arith.constant 0 : i32
    %dma_start3A_101 = arith.constant 0 : i32
    %dma_start3A_102 = tpu.memref_slice %arg4[%add3A, %dma_start3A_95, %dma_start3A_100, %dma_start3A_101] : memref<32x8x416x64xf32, #tpu.memory_space<hbm>> -> memref<1x1x416x64xf32, #tpu.memory_space<hbm>>
    %dma_start3A_103 = tpu.memref_squeeze %dma_start3A_102 : memref<1x1x416x64xf32, #tpu.memory_space<hbm>> -> memref<416x64xf32, #tpu.memory_space<hbm>>
    tpu.enqueue_dma source(%arg7 : memref<416x64xf32, #tpu.memory_space<vmem>>) target(%dma_start3A_103 : memref<416x64xf32, #tpu.memory_space<hbm>>) target_semaphore(%arg15 : memref<!tpu.dma_semaphore, #tpu.memory_space<semaphore_mem>>)
    %scan3A_104 = arith.constant 0 : i32
    %scan3A_105 = arith.constant 0 : i32
    %scan3A_106 = arith.constant 26 : i32
    %scan3A_107 = arith.addi %scan3A_105, %scan3A_106 : i32
    %scan3A_108 = arith.constant 1 : i32
    scf.for %scan3A_302 = %scan3A_105 to %scan3A_107 step %scan3A_108  : i32 {
      %mul3A_303 = arith.constant 16 : i32
      %mul3A_304 = arith.muli %scan3A_302, %mul3A_303 : i32
      %iota3A = tpu.iota {dimensions = array<i32: 0>} : vector<16xi32>
      %mul3A_305 = arith.constant 16 : i32
      %mul3A_306 = arith.muli %scan3A_302, %mul3A_305 : i32
      %add3A_307 = arith.constant 2080 : i32
      %add3A_308 = arith.addi %add3A_307, %mul3A_306 : i32
      %add3A_309 = vector.broadcast %add3A_308 : i32 to vector<16xi32>
      %add3A_310 = arith.addi %iota3A, %add3A_309 : vector<16xi32>
      %get3A = arith.constant 5 : i32
      %get3A_311 = arith.index_cast %get3A : i32 to index
      %get3A_312 = arith.index_cast %mul3A_304 : i32 to index
      %get3A_313 = tpu.vector_load %arg5[%get3A_311, %get3A_312] {strides = array<i32>} : memref<8x416xi32, #tpu.memory_space<vmem>>, vector<1x16xi32>,
      %get3A_314 = vector.shape_cast %get3A_313 : vector<1x16xi32> to vector<16xi32>
      %jit3A = arith.constant 26 : i32
      %eq3A = arith.constant 0 : i32
      %eq3A_315 = arith.cmpi eq, %jit3A, %eq3A : i32
      %jit3A_316 = arith.constant 1 : i32
      %select_n3A = arith.select %eq3A_315, %jit3A_316, %jit3A : i32
      %rem3A = vector.broadcast %select_n3A : i32 to vector<16xi32>
      %rem3A_317 = arith.remsi %add3A_310, %rem3A : vector<16xi32>
      %ne3A = arith.constant 0 : i32
      %ne3A_318 = vector.broadcast %ne3A : i32 to vector<16xi32>
      %ne3A_319 = arith.cmpi ne, %rem3A_317, %ne3A_318 : vector<16xi32>
      %lt3A = arith.constant 0 : i32
      %lt3A_320 = vector.broadcast %lt3A : i32 to vector<16xi32>
      %lt3A_321 = arith.cmpi slt, %rem3A_317, %lt3A_320 : vector<16xi32>
      %lt3A_322 = arith.constant 0 : i32
      %lt3A_323 = arith.cmpi slt, %select_n3A, %lt3A_322 : i32
      %ne3A_324 = vector.broadcast %lt3A_323 : i1 to vector<16xi1>
      %ne3A_325 = vector.broadcast %ne3A_324 : vector<16xi1> to vector<16xi1>
      %ne3A_326 = arith.xori %lt3A_321, %ne3A_325 : vector<16xi1>
      %and3A = arith.andi %ne3A_326, %ne3A_319 : vector<16xi1>
      %add3A_327 = vector.broadcast %select_n3A : i32 to vector<16xi32>
      %add3A_328 = arith.addi %rem3A_317, %add3A_327 : vector<16xi32>
      %select_n3A_329 = arith.select %and3A, %add3A_328, %rem3A_317 : vector<16xi1>, vector<16xi32>
      %mul3A_330 = arith.constant 1000 : i32
      %mul3A_331 = vector.broadcast %mul3A_330 : i32 to vector<16xi32>
      %mul3A_332 = arith.muli %select_n3A_329, %mul3A_331 : vector<16xi32>
      %add3A_333 = arith.addi %get3A_314, %mul3A_332 : vector<16xi32>
      %swap3A = arith.constant 5 : i32
      %swap3A_334 = arith.index_cast %swap3A : i32 to index
      %swap3A_335 = arith.index_cast %mul3A_304 : i32 to index
      %swap3A_336 = tpu.vector_load %arg5[%swap3A_334, %swap3A_335] {strides = array<i32>} : memref<8x416xi32, #tpu.memory_space<vmem>>, vector<1x16xi32>,
      %swap3A_337 = vector.shape_cast %swap3A_336 : vector<1x16xi32> to vector<16xi32>
      %swap3A_338 = vector.shape_cast %add3A_333 : vector<16xi32> to vector<1x16xi32>
      tpu.vector_store %arg5[%swap3A_334, %swap3A_335], %swap3A_338 {strides = array<i32>} : memref<8x416xi32, #tpu.memory_space<vmem>>, vector<1x16xi32>,
    }
    %scan3A_109 = arith.constant 26 : i32
    %dma_wait3A_110 = arith.constant 1 : i32
    %dma_wait3A_111 = arith.constant 0 : i32
    %dma_wait3A_112 = arith.constant 0 : i32
    %dma_wait3A_113 = tpu.memref_slice %arg4[%add3A, %dma_wait3A_110, %dma_wait3A_111, %dma_wait3A_112] : memref<32x8x416x64xf32, #tpu.memory_space<hbm>> -> memref<1x1x416x64xf32, #tpu.memory_space<hbm>>
    %dma_wait3A_114 = tpu.memref_squeeze %dma_wait3A_113 : memref<1x1x416x64xf32, #tpu.memory_space<hbm>> -> memref<416x64xf32, #tpu.memory_space<hbm>>
    %dma_wait3A_115 = arith.constant 0 : i32
    %dma_wait3A_116 = arith.constant 0 : i32
    %dma_wait3A_117 = tpu.memref_slice %arg4[%add3A, %dma_wait3A_110, %dma_wait3A_115, %dma_wait3A_116] : memref<32x8x416x64xf32, #tpu.memory_space<hbm>> -> memref<1x1x416x64xf32, #tpu.memory_space<hbm>>
    %dma_wait3A_118 = tpu.memref_squeeze %dma_wait3A_117 : memref<1x1x416x64xf32, #tpu.memory_space<hbm>> -> memref<416x64xf32, #tpu.memory_space<hbm>>
    tpu.wait_dma2 semaphore(%arg15 : memref<!tpu.dma_semaphore, #tpu.memory_space<semaphore_mem>>) src(%arg7 : memref<416x64xf32, #tpu.memory_space<vmem>>) dst(%dma_wait3A_118 : memref<416x64xf32, #tpu.memory_space<hbm>>)
    %dma_start3A_119 = arith.constant 5 : i32
    %dma_start3A_120 = arith.constant 0 : i32
    %dma_start3A_121 = tpu.memref_slice %arg5[%dma_start3A_119, %dma_start3A_120] : memref<8x416xi32, #tpu.memory_space<vmem>> -> memref<1x416xi32, #tpu.memory_space<vmem>>
    %dma_start3A_122 = tpu.memref_squeeze %dma_start3A_121 : memref<1x416xi32, #tpu.memory_space<vmem>> -> memref<416xi32, #tpu.memory_space<vmem>>
    %dma_start3A_123 = arith.constant 0 : i32
    %dma_start3A_124 = arith.constant 0 : i32
    %dma_start3A_125 = tpu.memref_slice %arg3[%dma_start3A_123, %dma_start3A_124] : memref<26000x64xf32, #tpu.memory_space<hbm>> -> memref<26000x64xf32, #tpu.memory_space<hbm>>
    tpu.enqueue_indirect_dma source(%dma_start3A_125 : memref<26000x64xf32, #tpu.memory_space<hbm>>) target(%arg7 : memref<416x64xf32, #tpu.memory_space<vmem>>) offsets(%dma_start3A_122 : memref<416xi32, #tpu.memory_space<vmem>>) semaphore(%arg11 : memref<!tpu.dma_semaphore, #tpu.memory_space<semaphore_mem>>)
    %dma_wait3A_126 = arith.constant 2 : i32
    %dma_wait3A_127 = arith.constant 0 : i32
    %dma_wait3A_128 = tpu.memref_slice %arg5[%dma_wait3A_126, %dma_wait3A_127] : memref<8x416xi32, #tpu.memory_space<vmem>> -> memref<1x416xi32, #tpu.memory_space<vmem>>
    %dma_wait3A_129 = tpu.memref_squeeze %dma_wait3A_128 : memref<1x416xi32, #tpu.memory_space<vmem>> -> memref<416xi32, #tpu.memory_space<vmem>>
    %dma_wait3A_130 = arith.constant 0 : i32
    %dma_wait3A_131 = arith.constant 0 : i32
    %dma_wait3A_132 = tpu.memref_slice %arg3[%dma_wait3A_130, %dma_wait3A_131] : memref<26000x64xf32, #tpu.memory_space<hbm>> -> memref<26000x64xf32, #tpu.memory_space<hbm>>
    tpu.wait_indirect_dma semaphore(%arg12 : memref<!tpu.dma_semaphore, #tpu.memory_space<semaphore_mem>>) src(%dma_wait3A_132 : memref<26000x64xf32, #tpu.memory_space<hbm>>) dst(%arg8 : memref<416x64xf32, #tpu.memory_space<vmem>>)
    %dma_start3A_133 = arith.constant 2 : i32
    %dma_start3A_134 = arith.constant 0 : i32
    %dma_start3A_135 = arith.constant 0 : i32
    %dma_start3A_136 = tpu.memref_slice %arg4[%add3A, %dma_start3A_133, %dma_start3A_134, %dma_start3A_135] : memref<32x8x416x64xf32, #tpu.memory_space<hbm>> -> memref<1x1x416x64xf32, #tpu.memory_space<hbm>>
    %dma_start3A_137 = tpu.memref_squeeze %dma_start3A_136 : memref<1x1x416x64xf32, #tpu.memory_space<hbm>> -> memref<416x64xf32, #tpu.memory_space<hbm>>
    %dma_start3A_138 = arith.constant 0 : i32
    %dma_start3A_139 = arith.constant 0 : i32
    %dma_start3A_140 = tpu.memref_slice %arg4[%add3A, %dma_start3A_133, %dma_start3A_138, %dma_start3A_139] : memref<32x8x416x64xf32, #tpu.memory_space<hbm>> -> memref<1x1x416x64xf32, #tpu.memory_space<hbm>>
    %dma_start3A_141 = tpu.memref_squeeze %dma_start3A_140 : memref<1x1x416x64xf32, #tpu.memory_space<hbm>> -> memref<416x64xf32, #tpu.memory_space<hbm>>
    tpu.enqueue_dma source(%arg8 : memref<416x64xf32, #tpu.memory_space<vmem>>) target(%dma_start3A_141 : memref<416x64xf32, #tpu.memory_space<hbm>>) target_semaphore(%arg16 : memref<!tpu.dma_semaphore, #tpu.memory_space<semaphore_mem>>)
    %scan3A_142 = arith.constant 0 : i32
    %scan3A_143 = arith.constant 0 : i32
    %scan3A_144 = arith.constant 26 : i32
    %scan3A_145 = arith.addi %scan3A_143, %scan3A_144 : i32
    %scan3A_146 = arith.constant 1 : i32
    scf.for %scan3A_302 = %scan3A_143 to %scan3A_145 step %scan3A_146  : i32 {
      %mul3A_303 = arith.constant 16 : i32
      %mul3A_304 = arith.muli %scan3A_302, %mul3A_303 : i32
      %iota3A = tpu.iota {dimensions = array<i32: 0>} : vector<16xi32>
      %mul3A_305 = arith.constant 16 : i32
      %mul3A_306 = arith.muli %scan3A_302, %mul3A_305 : i32
      %add3A_307 = arith.constant 2496 : i32
      %add3A_308 = arith.addi %add3A_307, %mul3A_306 : i32
      %add3A_309 = vector.broadcast %add3A_308 : i32 to vector<16xi32>
      %add3A_310 = arith.addi %iota3A, %add3A_309 : vector<16xi32>
      %get3A = arith.constant 6 : i32
      %get3A_311 = arith.index_cast %get3A : i32 to index
      %get3A_312 = arith.index_cast %mul3A_304 : i32 to index
      %get3A_313 = tpu.vector_load %arg5[%get3A_311, %get3A_312] {strides = array<i32>} : memref<8x416xi32, #tpu.memory_space<vmem>>, vector<1x16xi32>,
      %get3A_314 = vector.shape_cast %get3A_313 : vector<1x16xi32> to vector<16xi32>
      %jit3A = arith.constant 26 : i32
      %eq3A = arith.constant 0 : i32
      %eq3A_315 = arith.cmpi eq, %jit3A, %eq3A : i32
      %jit3A_316 = arith.constant 1 : i32
      %select_n3A = arith.select %eq3A_315, %jit3A_316, %jit3A : i32
      %rem3A = vector.broadcast %select_n3A : i32 to vector<16xi32>
      %rem3A_317 = arith.remsi %add3A_310, %rem3A : vector<16xi32>
      %ne3A = arith.constant 0 : i32
      %ne3A_318 = vector.broadcast %ne3A : i32 to vector<16xi32>
      %ne3A_319 = arith.cmpi ne, %rem3A_317, %ne3A_318 : vector<16xi32>
      %lt3A = arith.constant 0 : i32
      %lt3A_320 = vector.broadcast %lt3A : i32 to vector<16xi32>
      %lt3A_321 = arith.cmpi slt, %rem3A_317, %lt3A_320 : vector<16xi32>
      %lt3A_322 = arith.constant 0 : i32
      %lt3A_323 = arith.cmpi slt, %select_n3A, %lt3A_322 : i32
      %ne3A_324 = vector.broadcast %lt3A_323 : i1 to vector<16xi1>
      %ne3A_325 = vector.broadcast %ne3A_324 : vector<16xi1> to vector<16xi1>
      %ne3A_326 = arith.xori %lt3A_321, %ne3A_325 : vector<16xi1>
      %and3A = arith.andi %ne3A_326, %ne3A_319 : vector<16xi1>
      %add3A_327 = vector.broadcast %select_n3A : i32 to vector<16xi32>
      %add3A_328 = arith.addi %rem3A_317, %add3A_327 : vector<16xi32>
      %select_n3A_329 = arith.select %and3A, %add3A_328, %rem3A_317 : vector<16xi1>, vector<16xi32>
      %mul3A_330 = arith.constant 1000 : i32
      %mul3A_331 = vector.broadcast %mul3A_330 : i32 to vector<16xi32>
      %mul3A_332 = arith.muli %select_n3A_329, %mul3A_331 : vector<16xi32>
      %add3A_333 = arith.addi %get3A_314, %mul3A_332 : vector<16xi32>
      %swap3A = arith.constant 6 : i32
      %swap3A_334 = arith.index_cast %swap3A : i32 to index
      %swap3A_335 = arith.index_cast %mul3A_304 : i32 to index
      %swap3A_336 = tpu.vector_load %arg5[%swap3A_334, %swap3A_335] {strides = array<i32>} : memref<8x416xi32, #tpu.memory_space<vmem>>, vector<1x16xi32>,
      %swap3A_337 = vector.shape_cast %swap3A_336 : vector<1x16xi32> to vector<16xi32>
      %swap3A_338 = vector.shape_cast %add3A_333 : vector<16xi32> to vector<1x16xi32>
      tpu.vector_store %arg5[%swap3A_334, %swap3A_335], %swap3A_338 {strides = array<i32>} : memref<8x416xi32, #tpu.memory_space<vmem>>, vector<1x16xi32>,
    }
    %scan3A_147 = arith.constant 26 : i32
    %dma_wait3A_148 = arith.constant 2 : i32
    %dma_wait3A_149 = arith.constant 0 : i32
    %dma_wait3A_150 = arith.constant 0 : i32
    %dma_wait3A_151 = tpu.memref_slice %arg4[%add3A, %dma_wait3A_148, %dma_wait3A_149, %dma_wait3A_150] : memref<32x8x416x64xf32, #tpu.memory_space<hbm>> -> memref<1x1x416x64xf32, #tpu.memory_space<hbm>>
    %dma_wait3A_152 = tpu.memref_squeeze %dma_wait3A_151 : memref<1x1x416x64xf32, #tpu.memory_space<hbm>> -> memref<416x64xf32, #tpu.memory_space<hbm>>
    %dma_wait3A_153 = arith.constant 0 : i32
    %dma_wait3A_154 = arith.constant 0 : i32
    %dma_wait3A_155 = tpu.memref_slice %arg4[%add3A, %dma_wait3A_148, %dma_wait3A_153, %dma_wait3A_154] : memref<32x8x416x64xf32, #tpu.memory_space<hbm>> -> memref<1x1x416x64xf32, #tpu.memory_space<hbm>>
    %dma_wait3A_156 = tpu.memref_squeeze %dma_wait3A_155 : memref<1x1x416x64xf32, #tpu.memory_space<hbm>> -> memref<416x64xf32, #tpu.memory_space<hbm>>
    tpu.wait_dma2 semaphore(%arg16 : memref<!tpu.dma_semaphore, #tpu.memory_space<semaphore_mem>>) src(%arg8 : memref<416x64xf32, #tpu.memory_space<vmem>>) dst(%dma_wait3A_156 : memref<416x64xf32, #tpu.memory_space<hbm>>)
    %dma_start3A_157 = arith.constant 6 : i32
    %dma_start3A_158 = arith.constant 0 : i32
    %dma_start3A_159 = tpu.memref_slice %arg5[%dma_start3A_157, %dma_start3A_158] : memref<8x416xi32, #tpu.memory_space<vmem>> -> memref<1x416xi32, #tpu.memory_space<vmem>>
    %dma_start3A_160 = tpu.memref_squeeze %dma_start3A_159 : memref<1x416xi32, #tpu.memory_space<vmem>> -> memref<416xi32, #tpu.memory_space<vmem>>
    %dma_start3A_161 = arith.constant 0 : i32
    %dma_start3A_162 = arith.constant 0 : i32
    %dma_start3A_163 = tpu.memref_slice %arg3[%dma_start3A_161, %dma_start3A_162] : memref<26000x64xf32, #tpu.memory_space<hbm>> -> memref<26000x64xf32, #tpu.memory_space<hbm>>
    tpu.enqueue_indirect_dma source(%dma_start3A_163 : memref<26000x64xf32, #tpu.memory_space<hbm>>) target(%arg8 : memref<416x64xf32, #tpu.memory_space<vmem>>) offsets(%dma_start3A_160 : memref<416xi32, #tpu.memory_space<vmem>>) semaphore(%arg12 : memref<!tpu.dma_semaphore, #tpu.memory_space<semaphore_mem>>)
    %dma_wait3A_164 = arith.constant 3 : i32
    %dma_wait3A_165 = arith.constant 0 : i32
    %dma_wait3A_166 = tpu.memref_slice %arg5[%dma_wait3A_164, %dma_wait3A_165] : memref<8x416xi32, #tpu.memory_space<vmem>> -> memref<1x416xi32, #tpu.memory_space<vmem>>
    %dma_wait3A_167 = tpu.memref_squeeze %dma_wait3A_166 : memref<1x416xi32, #tpu.memory_space<vmem>> -> memref<416xi32, #tpu.memory_space<vmem>>
    %dma_wait3A_168 = arith.constant 0 : i32
    %dma_wait3A_169 = arith.constant 0 : i32
    %dma_wait3A_170 = tpu.memref_slice %arg3[%dma_wait3A_168, %dma_wait3A_169] : memref<26000x64xf32, #tpu.memory_space<hbm>> -> memref<26000x64xf32, #tpu.memory_space<hbm>>
    tpu.wait_indirect_dma semaphore(%arg13 : memref<!tpu.dma_semaphore, #tpu.memory_space<semaphore_mem>>) src(%dma_wait3A_170 : memref<26000x64xf32, #tpu.memory_space<hbm>>) dst(%arg9 : memref<416x64xf32, #tpu.memory_space<vmem>>)
    %dma_start3A_171 = arith.constant 3 : i32
    %dma_start3A_172 = arith.constant 0 : i32
    %dma_start3A_173 = arith.constant 0 : i32
    %dma_start3A_174 = tpu.memref_slice %arg4[%add3A, %dma_start3A_171, %dma_start3A_172, %dma_start3A_173] : memref<32x8x416x64xf32, #tpu.memory_space<hbm>> -> memref<1x1x416x64xf32, #tpu.memory_space<hbm>>
    %dma_start3A_175 = tpu.memref_squeeze %dma_start3A_174 : memref<1x1x416x64xf32, #tpu.memory_space<hbm>> -> memref<416x64xf32, #tpu.memory_space<hbm>>
    %dma_start3A_176 = arith.constant 0 : i32
    %dma_start3A_177 = arith.constant 0 : i32
    %dma_start3A_178 = tpu.memref_slice %arg4[%add3A, %dma_start3A_171, %dma_start3A_176, %dma_start3A_177] : memref<32x8x416x64xf32, #tpu.memory_space<hbm>> -> memref<1x1x416x64xf32, #tpu.memory_space<hbm>>
    %dma_start3A_179 = tpu.memref_squeeze %dma_start3A_178 : memref<1x1x416x64xf32, #tpu.memory_space<hbm>> -> memref<416x64xf32, #tpu.memory_space<hbm>>
    tpu.enqueue_dma source(%arg9 : memref<416x64xf32, #tpu.memory_space<vmem>>) target(%dma_start3A_179 : memref<416x64xf32, #tpu.memory_space<hbm>>) target_semaphore(%arg17 : memref<!tpu.dma_semaphore, #tpu.memory_space<semaphore_mem>>)
    %scan3A_180 = arith.constant 0 : i32
    %scan3A_181 = arith.constant 0 : i32
    %scan3A_182 = arith.constant 26 : i32
    %scan3A_183 = arith.addi %scan3A_181, %scan3A_182 : i32
    %scan3A_184 = arith.constant 1 : i32
    scf.for %scan3A_302 = %scan3A_181 to %scan3A_183 step %scan3A_184  : i32 {
      %mul3A_303 = arith.constant 16 : i32
      %mul3A_304 = arith.muli %scan3A_302, %mul3A_303 : i32
      %iota3A = tpu.iota {dimensions = array<i32: 0>} : vector<16xi32>
      %mul3A_305 = arith.constant 16 : i32
      %mul3A_306 = arith.muli %scan3A_302, %mul3A_305 : i32
      %add3A_307 = arith.constant 2912 : i32
      %add3A_308 = arith.addi %add3A_307, %mul3A_306 : i32
      %add3A_309 = vector.broadcast %add3A_308 : i32 to vector<16xi32>
      %add3A_310 = arith.addi %iota3A, %add3A_309 : vector<16xi32>
      %get3A = arith.constant 7 : i32
      %get3A_311 = arith.index_cast %get3A : i32 to index
      %get3A_312 = arith.index_cast %mul3A_304 : i32 to index
      %get3A_313 = tpu.vector_load %arg5[%get3A_311, %get3A_312] {strides = array<i32>} : memref<8x416xi32, #tpu.memory_space<vmem>>, vector<1x16xi32>,
      %get3A_314 = vector.shape_cast %get3A_313 : vector<1x16xi32> to vector<16xi32>
      %jit3A = arith.constant 26 : i32
      %eq3A = arith.constant 0 : i32
      %eq3A_315 = arith.cmpi eq, %jit3A, %eq3A : i32
      %jit3A_316 = arith.constant 1 : i32
      %select_n3A = arith.select %eq3A_315, %jit3A_316, %jit3A : i32
      %rem3A = vector.broadcast %select_n3A : i32 to vector<16xi32>
      %rem3A_317 = arith.remsi %add3A_310, %rem3A : vector<16xi32>
      %ne3A = arith.constant 0 : i32
      %ne3A_318 = vector.broadcast %ne3A : i32 to vector<16xi32>
      %ne3A_319 = arith.cmpi ne, %rem3A_317, %ne3A_318 : vector<16xi32>
      %lt3A = arith.constant 0 : i32
      %lt3A_320 = vector.broadcast %lt3A : i32 to vector<16xi32>
      %lt3A_321 = arith.cmpi slt, %rem3A_317, %lt3A_320 : vector<16xi32>
      %lt3A_322 = arith.constant 0 : i32
      %lt3A_323 = arith.cmpi slt, %select_n3A, %lt3A_322 : i32
      %ne3A_324 = vector.broadcast %lt3A_323 : i1 to vector<16xi1>
      %ne3A_325 = vector.broadcast %ne3A_324 : vector<16xi1> to vector<16xi1>
      %ne3A_326 = arith.xori %lt3A_321, %ne3A_325 : vector<16xi1>
      %and3A = arith.andi %ne3A_326, %ne3A_319 : vector<16xi1>
      %add3A_327 = vector.broadcast %select_n3A : i32 to vector<16xi32>
      %add3A_328 = arith.addi %rem3A_317, %add3A_327 : vector<16xi32>
      %select_n3A_329 = arith.select %and3A, %add3A_328, %rem3A_317 : vector<16xi1>, vector<16xi32>
      %mul3A_330 = arith.constant 1000 : i32
      %mul3A_331 = vector.broadcast %mul3A_330 : i32 to vector<16xi32>
      %mul3A_332 = arith.muli %select_n3A_329, %mul3A_331 : vector<16xi32>
      %add3A_333 = arith.addi %get3A_314, %mul3A_332 : vector<16xi32>
      %swap3A = arith.constant 7 : i32
      %swap3A_334 = arith.index_cast %swap3A : i32 to index
      %swap3A_335 = arith.index_cast %mul3A_304 : i32 to index
      %swap3A_336 = tpu.vector_load %arg5[%swap3A_334, %swap3A_335] {strides = array<i32>} : memref<8x416xi32, #tpu.memory_space<vmem>>, vector<1x16xi32>,
      %swap3A_337 = vector.shape_cast %swap3A_336 : vector<1x16xi32> to vector<16xi32>
      %swap3A_338 = vector.shape_cast %add3A_333 : vector<16xi32> to vector<1x16xi32>
      tpu.vector_store %arg5[%swap3A_334, %swap3A_335], %swap3A_338 {strides = array<i32>} : memref<8x416xi32, #tpu.memory_space<vmem>>, vector<1x16xi32>,
    }
    %scan3A_185 = arith.constant 26 : i32
    %dma_wait3A_186 = arith.constant 3 : i32
    %dma_wait3A_187 = arith.constant 0 : i32
    %dma_wait3A_188 = arith.constant 0 : i32
    %dma_wait3A_189 = tpu.memref_slice %arg4[%add3A, %dma_wait3A_186, %dma_wait3A_187, %dma_wait3A_188] : memref<32x8x416x64xf32, #tpu.memory_space<hbm>> -> memref<1x1x416x64xf32, #tpu.memory_space<hbm>>
    %dma_wait3A_190 = tpu.memref_squeeze %dma_wait3A_189 : memref<1x1x416x64xf32, #tpu.memory_space<hbm>> -> memref<416x64xf32, #tpu.memory_space<hbm>>
    %dma_wait3A_191 = arith.constant 0 : i32
    %dma_wait3A_192 = arith.constant 0 : i32
    %dma_wait3A_193 = tpu.memref_slice %arg4[%add3A, %dma_wait3A_186, %dma_wait3A_191, %dma_wait3A_192] : memref<32x8x416x64xf32, #tpu.memory_space<hbm>> -> memref<1x1x416x64xf32, #tpu.memory_space<hbm>>
    %dma_wait3A_194 = tpu.memref_squeeze %dma_wait3A_193 : memref<1x1x416x64xf32, #tpu.memory_space<hbm>> -> memref<416x64xf32, #tpu.memory_space<hbm>>
    tpu.wait_dma2 semaphore(%arg17 : memref<!tpu.dma_semaphore, #tpu.memory_space<semaphore_mem>>) src(%arg9 : memref<416x64xf32, #tpu.memory_space<vmem>>) dst(%dma_wait3A_194 : memref<416x64xf32, #tpu.memory_space<hbm>>)
    %dma_start3A_195 = arith.constant 7 : i32
    %dma_start3A_196 = arith.constant 0 : i32
    %dma_start3A_197 = tpu.memref_slice %arg5[%dma_start3A_195, %dma_start3A_196] : memref<8x416xi32, #tpu.memory_space<vmem>> -> memref<1x416xi32, #tpu.memory_space<vmem>>
    %dma_start3A_198 = tpu.memref_squeeze %dma_start3A_197 : memref<1x416xi32, #tpu.memory_space<vmem>> -> memref<416xi32, #tpu.memory_space<vmem>>
    %dma_start3A_199 = arith.constant 0 : i32
    %dma_start3A_200 = arith.constant 0 : i32
    %dma_start3A_201 = tpu.memref_slice %arg3[%dma_start3A_199, %dma_start3A_200] : memref<26000x64xf32, #tpu.memory_space<hbm>> -> memref<26000x64xf32, #tpu.memory_space<hbm>>
    tpu.enqueue_indirect_dma source(%dma_start3A_201 : memref<26000x64xf32, #tpu.memory_space<hbm>>) target(%arg9 : memref<416x64xf32, #tpu.memory_space<vmem>>) offsets(%dma_start3A_198 : memref<416xi32, #tpu.memory_space<vmem>>) semaphore(%arg13 : memref<!tpu.dma_semaphore, #tpu.memory_space<semaphore_mem>>)
    %dma_wait3A_202 = arith.constant 4 : i32
    %dma_wait3A_203 = arith.constant 0 : i32
    %dma_wait3A_204 = tpu.memref_slice %arg5[%dma_wait3A_202, %dma_wait3A_203] : memref<8x416xi32, #tpu.memory_space<vmem>> -> memref<1x416xi32, #tpu.memory_space<vmem>>
    %dma_wait3A_205 = tpu.memref_squeeze %dma_wait3A_204 : memref<1x416xi32, #tpu.memory_space<vmem>> -> memref<416xi32, #tpu.memory_space<vmem>>
    %dma_wait3A_206 = arith.constant 0 : i32
    %dma_wait3A_207 = arith.constant 0 : i32
    %dma_wait3A_208 = tpu.memref_slice %arg3[%dma_wait3A_206, %dma_wait3A_207] : memref<26000x64xf32, #tpu.memory_space<hbm>> -> memref<26000x64xf32, #tpu.memory_space<hbm>>
    tpu.wait_indirect_dma semaphore(%arg10 : memref<!tpu.dma_semaphore, #tpu.memory_space<semaphore_mem>>) src(%dma_wait3A_208 : memref<26000x64xf32, #tpu.memory_space<hbm>>) dst(%arg6 : memref<416x64xf32, #tpu.memory_space<vmem>>)
    %dma_start3A_209 = arith.constant 4 : i32
    %dma_start3A_210 = arith.constant 0 : i32
    %dma_start3A_211 = arith.constant 0 : i32
    %dma_start3A_212 = tpu.memref_slice %arg4[%add3A, %dma_start3A_209, %dma_start3A_210, %dma_start3A_211] : memref<32x8x416x64xf32, #tpu.memory_space<hbm>> -> memref<1x1x416x64xf32, #tpu.memory_space<hbm>>
    %dma_start3A_213 = tpu.memref_squeeze %dma_start3A_212 : memref<1x1x416x64xf32, #tpu.memory_space<hbm>> -> memref<416x64xf32, #tpu.memory_space<hbm>>
    %dma_start3A_214 = arith.constant 0 : i32
    %dma_start3A_215 = arith.constant 0 : i32
    %dma_start3A_216 = tpu.memref_slice %arg4[%add3A, %dma_start3A_209, %dma_start3A_214, %dma_start3A_215] : memref<32x8x416x64xf32, #tpu.memory_space<hbm>> -> memref<1x1x416x64xf32, #tpu.memory_space<hbm>>
    %dma_start3A_217 = tpu.memref_squeeze %dma_start3A_216 : memref<1x1x416x64xf32, #tpu.memory_space<hbm>> -> memref<416x64xf32, #tpu.memory_space<hbm>>
    tpu.enqueue_dma source(%arg6 : memref<416x64xf32, #tpu.memory_space<vmem>>) target(%dma_start3A_217 : memref<416x64xf32, #tpu.memory_space<hbm>>) target_semaphore(%arg14 : memref<!tpu.dma_semaphore, #tpu.memory_space<semaphore_mem>>)
    %dma_wait3A_218 = arith.constant 5 : i32
    %dma_wait3A_219 = arith.constant 0 : i32
    %dma_wait3A_220 = tpu.memref_slice %arg5[%dma_wait3A_218, %dma_wait3A_219] : memref<8x416xi32, #tpu.memory_space<vmem>> -> memref<1x416xi32, #tpu.memory_space<vmem>>
    %dma_wait3A_221 = tpu.memref_squeeze %dma_wait3A_220 : memref<1x416xi32, #tpu.memory_space<vmem>> -> memref<416xi32, #tpu.memory_space<vmem>>
    %dma_wait3A_222 = arith.constant 0 : i32
    %dma_wait3A_223 = arith.constant 0 : i32
    %dma_wait3A_224 = tpu.memref_slice %arg3[%dma_wait3A_222, %dma_wait3A_223] : memref<26000x64xf32, #tpu.memory_space<hbm>> -> memref<26000x64xf32, #tpu.memory_space<hbm>>
    tpu.wait_indirect_dma semaphore(%arg11 : memref<!tpu.dma_semaphore, #tpu.memory_space<semaphore_mem>>) src(%dma_wait3A_224 : memref<26000x64xf32, #tpu.memory_space<hbm>>) dst(%arg7 : memref<416x64xf32, #tpu.memory_space<vmem>>)
    %dma_start3A_225 = arith.constant 5 : i32
    %dma_start3A_226 = arith.constant 0 : i32
    %dma_start3A_227 = arith.constant 0 : i32
    %dma_start3A_228 = tpu.memref_slice %arg4[%add3A, %dma_start3A_225, %dma_start3A_226, %dma_start3A_227] : memref<32x8x416x64xf32, #tpu.memory_space<hbm>> -> memref<1x1x416x64xf32, #tpu.memory_space<hbm>>
    %dma_start3A_229 = tpu.memref_squeeze %dma_start3A_228 : memref<1x1x416x64xf32, #tpu.memory_space<hbm>> -> memref<416x64xf32, #tpu.memory_space<hbm>>
    %dma_start3A_230 = arith.constant 0 : i32
    %dma_start3A_231 = arith.constant 0 : i32
    %dma_start3A_232 = tpu.memref_slice %arg4[%add3A, %dma_start3A_225, %dma_start3A_230, %dma_start3A_231] : memref<32x8x416x64xf32, #tpu.memory_space<hbm>> -> memref<1x1x416x64xf32, #tpu.memory_space<hbm>>
    %dma_start3A_233 = tpu.memref_squeeze %dma_start3A_232 : memref<1x1x416x64xf32, #tpu.memory_space<hbm>> -> memref<416x64xf32, #tpu.memory_space<hbm>>
    tpu.enqueue_dma source(%arg7 : memref<416x64xf32, #tpu.memory_space<vmem>>) target(%dma_start3A_233 : memref<416x64xf32, #tpu.memory_space<hbm>>) target_semaphore(%arg15 : memref<!tpu.dma_semaphore, #tpu.memory_space<semaphore_mem>>)
    %dma_wait3A_234 = arith.constant 6 : i32
    %dma_wait3A_235 = arith.constant 0 : i32
    %dma_wait3A_236 = tpu.memref_slice %arg5[%dma_wait3A_234, %dma_wait3A_235] : memref<8x416xi32, #tpu.memory_space<vmem>> -> memref<1x416xi32, #tpu.memory_space<vmem>>
    %dma_wait3A_237 = tpu.memref_squeeze %dma_wait3A_236 : memref<1x416xi32, #tpu.memory_space<vmem>> -> memref<416xi32, #tpu.memory_space<vmem>>
    %dma_wait3A_238 = arith.constant 0 : i32
    %dma_wait3A_239 = arith.constant 0 : i32
    %dma_wait3A_240 = tpu.memref_slice %arg3[%dma_wait3A_238, %dma_wait3A_239] : memref<26000x64xf32, #tpu.memory_space<hbm>> -> memref<26000x64xf32, #tpu.memory_space<hbm>>
    tpu.wait_indirect_dma semaphore(%arg12 : memref<!tpu.dma_semaphore, #tpu.memory_space<semaphore_mem>>) src(%dma_wait3A_240 : memref<26000x64xf32, #tpu.memory_space<hbm>>) dst(%arg8 : memref<416x64xf32, #tpu.memory_space<vmem>>)
    %dma_start3A_241 = arith.constant 6 : i32
    %dma_start3A_242 = arith.constant 0 : i32
    %dma_start3A_243 = arith.constant 0 : i32
    %dma_start3A_244 = tpu.memref_slice %arg4[%add3A, %dma_start3A_241, %dma_start3A_242, %dma_start3A_243] : memref<32x8x416x64xf32, #tpu.memory_space<hbm>> -> memref<1x1x416x64xf32, #tpu.memory_space<hbm>>
    %dma_start3A_245 = tpu.memref_squeeze %dma_start3A_244 : memref<1x1x416x64xf32, #tpu.memory_space<hbm>> -> memref<416x64xf32, #tpu.memory_space<hbm>>
    %dma_start3A_246 = arith.constant 0 : i32
    %dma_start3A_247 = arith.constant 0 : i32
    %dma_start3A_248 = tpu.memref_slice %arg4[%add3A, %dma_start3A_241, %dma_start3A_246, %dma_start3A_247] : memref<32x8x416x64xf32, #tpu.memory_space<hbm>> -> memref<1x1x416x64xf32, #tpu.memory_space<hbm>>
    %dma_start3A_249 = tpu.memref_squeeze %dma_start3A_248 : memref<1x1x416x64xf32, #tpu.memory_space<hbm>> -> memref<416x64xf32, #tpu.memory_space<hbm>>
    tpu.enqueue_dma source(%arg8 : memref<416x64xf32, #tpu.memory_space<vmem>>) target(%dma_start3A_249 : memref<416x64xf32, #tpu.memory_space<hbm>>) target_semaphore(%arg16 : memref<!tpu.dma_semaphore, #tpu.memory_space<semaphore_mem>>)
    %dma_wait3A_250 = arith.constant 7 : i32
    %dma_wait3A_251 = arith.constant 0 : i32
    %dma_wait3A_252 = tpu.memref_slice %arg5[%dma_wait3A_250, %dma_wait3A_251] : memref<8x416xi32, #tpu.memory_space<vmem>> -> memref<1x416xi32, #tpu.memory_space<vmem>>
    %dma_wait3A_253 = tpu.memref_squeeze %dma_wait3A_252 : memref<1x416xi32, #tpu.memory_space<vmem>> -> memref<416xi32, #tpu.memory_space<vmem>>
    %dma_wait3A_254 = arith.constant 0 : i32
    %dma_wait3A_255 = arith.constant 0 : i32
    %dma_wait3A_256 = tpu.memref_slice %arg3[%dma_wait3A_254, %dma_wait3A_255] : memref<26000x64xf32, #tpu.memory_space<hbm>> -> memref<26000x64xf32, #tpu.memory_space<hbm>>
    tpu.wait_indirect_dma semaphore(%arg13 : memref<!tpu.dma_semaphore, #tpu.memory_space<semaphore_mem>>) src(%dma_wait3A_256 : memref<26000x64xf32, #tpu.memory_space<hbm>>) dst(%arg9 : memref<416x64xf32, #tpu.memory_space<vmem>>)
    %dma_start3A_257 = arith.constant 7 : i32
    %dma_start3A_258 = arith.constant 0 : i32
    %dma_start3A_259 = arith.constant 0 : i32
    %dma_start3A_260 = tpu.memref_slice %arg4[%add3A, %dma_start3A_257, %dma_start3A_258, %dma_start3A_259] : memref<32x8x416x64xf32, #tpu.memory_space<hbm>> -> memref<1x1x416x64xf32, #tpu.memory_space<hbm>>
    %dma_start3A_261 = tpu.memref_squeeze %dma_start3A_260 : memref<1x1x416x64xf32, #tpu.memory_space<hbm>> -> memref<416x64xf32, #tpu.memory_space<hbm>>
    %dma_start3A_262 = arith.constant 0 : i32
    %dma_start3A_263 = arith.constant 0 : i32
    %dma_start3A_264 = tpu.memref_slice %arg4[%add3A, %dma_start3A_257, %dma_start3A_262, %dma_start3A_263] : memref<32x8x416x64xf32, #tpu.memory_space<hbm>> -> memref<1x1x416x64xf32, #tpu.memory_space<hbm>>
    %dma_start3A_265 = tpu.memref_squeeze %dma_start3A_264 : memref<1x1x416x64xf32, #tpu.memory_space<hbm>> -> memref<416x64xf32, #tpu.memory_space<hbm>>
    tpu.enqueue_dma source(%arg9 : memref<416x64xf32, #tpu.memory_space<vmem>>) target(%dma_start3A_265 : memref<416x64xf32, #tpu.memory_space<hbm>>) target_semaphore(%arg17 : memref<!tpu.dma_semaphore, #tpu.memory_space<semaphore_mem>>)
    %dma_wait3A_266 = arith.constant 4 : i32
    %dma_wait3A_267 = arith.constant 0 : i32
    %dma_wait3A_268 = arith.constant 0 : i32
    %dma_wait3A_269 = tpu.memref_slice %arg4[%add3A, %dma_wait3A_266, %dma_wait3A_267, %dma_wait3A_268] : memref<32x8x416x64xf32, #tpu.memory_space<hbm>> -> memref<1x1x416x64xf32, #tpu.memory_space<hbm>>
    %dma_wait3A_270 = tpu.memref_squeeze %dma_wait3A_269 : memref<1x1x416x64xf32, #tpu.memory_space<hbm>> -> memref<416x64xf32, #tpu.memory_space<hbm>>
    %dma_wait3A_271 = arith.constant 0 : i32
    %dma_wait3A_272 = arith.constant 0 : i32
    %dma_wait3A_273 = tpu.memref_slice %arg4[%add3A, %dma_wait3A_266, %dma_wait3A_271, %dma_wait3A_272] : memref<32x8x416x64xf32, #tpu.memory_space<hbm>> -> memref<1x1x416x64xf32, #tpu.memory_space<hbm>>
    %dma_wait3A_274 = tpu.memref_squeeze %dma_wait3A_273 : memref<1x1x416x64xf32, #tpu.memory_space<hbm>> -> memref<416x64xf32, #tpu.memory_space<hbm>>
    tpu.wait_dma2 semaphore(%arg14 : memref<!tpu.dma_semaphore, #tpu.memory_space<semaphore_mem>>) src(%arg6 : memref<416x64xf32, #tpu.memory_space<vmem>>) dst(%dma_wait3A_274 : memref<416x64xf32, #tpu.memory_space<hbm>>)
    %dma_wait3A_275 = arith.constant 5 : i32
    %dma_wait3A_276 = arith.constant 0 : i32
    %dma_wait3A_277 = arith.constant 0 : i32
    %dma_wait3A_278 = tpu.memref_slice %arg4[%add3A, %dma_wait3A_275, %dma_wait3A_276, %dma_wait3A_277] : memref<32x8x416x64xf32, #tpu.memory_space<hbm>> -> memref<1x1x416x64xf32, #tpu.memory_space<hbm>>
    %dma_wait3A_279 = tpu.memref_squeeze %dma_wait3A_278 : memref<1x1x416x64xf32, #tpu.memory_space<hbm>> -> memref<416x64xf32, #tpu.memory_space<hbm>>
    %dma_wait3A_280 = arith.constant 0 : i32
    %dma_wait3A_281 = arith.constant 0 : i32
    %dma_wait3A_282 = tpu.memref_slice %arg4[%add3A, %dma_wait3A_275, %dma_wait3A_280, %dma_wait3A_281] : memref<32x8x416x64xf32, #tpu.memory_space<hbm>> -> memref<1x1x416x64xf32, #tpu.memory_space<hbm>>
    %dma_wait3A_283 = tpu.memref_squeeze %dma_wait3A_282 : memref<1x1x416x64xf32, #tpu.memory_space<hbm>> -> memref<416x64xf32, #tpu.memory_space<hbm>>
    tpu.wait_dma2 semaphore(%arg15 : memref<!tpu.dma_semaphore, #tpu.memory_space<semaphore_mem>>) src(%arg7 : memref<416x64xf32, #tpu.memory_space<vmem>>) dst(%dma_wait3A_283 : memref<416x64xf32, #tpu.memory_space<hbm>>)
    %dma_wait3A_284 = arith.constant 6 : i32
    %dma_wait3A_285 = arith.constant 0 : i32
    %dma_wait3A_286 = arith.constant 0 : i32
    %dma_wait3A_287 = tpu.memref_slice %arg4[%add3A, %dma_wait3A_284, %dma_wait3A_285, %dma_wait3A_286] : memref<32x8x416x64xf32, #tpu.memory_space<hbm>> -> memref<1x1x416x64xf32, #tpu.memory_space<hbm>>
    %dma_wait3A_288 = tpu.memref_squeeze %dma_wait3A_287 : memref<1x1x416x64xf32, #tpu.memory_space<hbm>> -> memref<416x64xf32, #tpu.memory_space<hbm>>
    %dma_wait3A_289 = arith.constant 0 : i32
    %dma_wait3A_290 = arith.constant 0 : i32
    %dma_wait3A_291 = tpu.memref_slice %arg4[%add3A, %dma_wait3A_284, %dma_wait3A_289, %dma_wait3A_290] : memref<32x8x416x64xf32, #tpu.memory_space<hbm>> -> memref<1x1x416x64xf32, #tpu.memory_space<hbm>>
    %dma_wait3A_292 = tpu.memref_squeeze %dma_wait3A_291 : memref<1x1x416x64xf32, #tpu.memory_space<hbm>> -> memref<416x64xf32, #tpu.memory_space<hbm>>
    tpu.wait_dma2 semaphore(%arg16 : memref<!tpu.dma_semaphore, #tpu.memory_space<semaphore_mem>>) src(%arg8 : memref<416x64xf32, #tpu.memory_space<vmem>>) dst(%dma_wait3A_292 : memref<416x64xf32, #tpu.memory_space<hbm>>)
    %dma_wait3A_293 = arith.constant 7 : i32
    %dma_wait3A_294 = arith.constant 0 : i32
    %dma_wait3A_295 = arith.constant 0 : i32
    %dma_wait3A_296 = tpu.memref_slice %arg4[%add3A, %dma_wait3A_293, %dma_wait3A_294, %dma_wait3A_295] : memref<32x8x416x64xf32, #tpu.memory_space<hbm>> -> memref<1x1x416x64xf32, #tpu.memory_space<hbm>>
    %dma_wait3A_297 = tpu.memref_squeeze %dma_wait3A_296 : memref<1x1x416x64xf32, #tpu.memory_space<hbm>> -> memref<416x64xf32, #tpu.memory_space<hbm>>
    %dma_wait3A_298 = arith.constant 0 : i32
    %dma_wait3A_299 = arith.constant 0 : i32
    %dma_wait3A_300 = tpu.memref_slice %arg4[%add3A, %dma_wait3A_293, %dma_wait3A_298, %dma_wait3A_299] : memref<32x8x416x64xf32, #tpu.memory_space<hbm>> -> memref<1x1x416x64xf32, #tpu.memory_space<hbm>>
    %dma_wait3A_301 = tpu.memref_squeeze %dma_wait3A_300 : memref<1x1x416x64xf32, #tpu.memory_space<hbm>> -> memref<416x64xf32, #tpu.memory_space<hbm>>
    tpu.wait_dma2 semaphore(%arg17 : memref<!tpu.dma_semaphore, #tpu.memory_space<semaphore_mem>>) src(%arg9 : memref<416x64xf32, #tpu.memory_space<vmem>>) dst(%dma_wait3A_301 : memref<416x64xf32, #tpu.memory_space<hbm>>)
    return
  }
}

</mosaic_0001>

<sc_bundles>
// kernel: kernel.3.cloned.1.call-start
scs
__scs_entry_jumppad:
0x0: {  	(pc) =	sbr.rel $0x88, $3  }
0x1: {  	(tag) =	ssettag $0x0;
	lr =	simm.s32 $0x1  }
0x2: {  	[smem:$0x3F9F] =	sst lr;
	_ =	strace $0xD0000000  }
0x3: {  	_ = 	snop  }
0x4: {  	_ = 	snop  }
0x5: {  	_ = 	snop  }
0x6: {  	_ = 	snop  }
0x7: {  	_ = 	snop  }
__scs_overlays_trampoline_lowered:
0x8: {  	[smem:$0x3FAE] =	sst s0  }
0x9: {  	[smem:$0x3FAF] =	sst s1  }
0xa: {  	[smem:$0x3FB0] =	sst s2  }
0xb: {  	[smem:$0x3FB1] =	sst s3  }
0xc: {  	[smem:$0x3FB2] =	sst s4  }
0xd: {  	[smem:$0x3FB3] =	sst s5  }
0xe: {  	[smem:$0x3FB4] =	sst s6  }
0xf: {  	[smem:$0x3FB5] =	sst s7  }
0x10: {  	[smem:$0x3FB6] =	sst s8  }
0x11: {  	[smem:$0x3FB7] =	sst s9;
	s0 =	simm.s32 @!p0 $0x0  }
0x12: {  	s1 =	sld [smem:$0x3F9D];
	s0 =	simm.s32 @p0 $0x1  }
0x13: {  	[smem:$0x3FB8] =	sst s0;
	s0 =	simm.s32 @!p1 $0x0  }
0x14: {  	s2 =	sld [smem:$0x3F9C];
	s0 =	simm.s32 @p1 $0x1  }
0x15: {  	[smem:$0x3FB9] =	sst s0;
	s0 =	simm.s32 @!p2 $0x0  }
0x16: {  	s3 =	sld [smem:$0x3FDB];
	s0 =	simm.s32 @p2 $0x1  }
0x17: {  	s4 =	simm.s32 $0x1BF5;
	[smem:$0x3FBB] =	sst s0  }
0x18: {  	s0 =	sld [smem:$0x3F9E];
	_ =	swait.ge [sflag:s4], $0x0  }
0x19: {  	s7 =	sld [smem:$0x3F9F]  }
0x1a: {  	s8 =	sadd.s32 $0xFFFFE003, lr  }
0x1b: {  	s9 =	sadd.s32 $0xFFFFFEF7, lr;
	s5 =	simm.s32 $0xFFFFFFFF;
	p2 =	slt.u32 s8, $0xFFFFF086  }
0x1c: {  	p1 =	slt.u32 s9, $0xF7A;
	s5 =	simm.s32 @!p2 $0x0  }
0x1d: {  	s5 =	simm.s32 @p1 $0x1;
	p0 =	seq.s32 s7, s2  }
0x1e: {  	s7 =	smul.u32 @!p0 $0xF7A, s2;
	p2 =	seq.s32 @!p0 s5, $0x0  }
0x1f: {  	s9 =	smul.u32 $0xF7A, s1;
	s8 =	simm.s32 @!p0 $0x1BF5;
	p2 =	por !p2, p0  }
0x20: {  	[sflag:s8] =	ssyncset.s32 @!p0 $0xFFFFF086;
	s6 =	sadd.s32 @!p0 s3, s7;
	s7 =	simm.s32 @!p0 $0x108  }
0x21: {  	s3 =	sadd.s32 s3, s9;
	s6 =	sadd.s32 @!p0 $0x88, s6;
	s7 =	simm.s32 @p2 $0x1082  }
0x22: {  	[simem:s7], [sflag:s8] =	dma.local @!p0 [hbm:s6], $0xF7A  }
0x23: {  	s9 =	sor.u32 $0xD0000000, s2;
	s6 =	simm.s32 $0x108;
	_ =	swait.ge @!p0 [sflag:s8], $0x0  }
0x24: {  	s3 =	sadd.s32 $0x88, s3;
	s6 =	simm.s32 @!p1 $0x1082;
	[sflag:s4] =	ssyncset.s32 $0xFFFFF086  }
0x25: {  	[simem:s6], [sflag:s4] =	dma.local [hbm:s3], $0xF7A  }
0x26: {  	[smem:$0x3F9F] =	sst s1;
	(tag) =	ssettag s2;
	_ =	strace s9  }
0x27: {  	s1 =	sld [smem:$0x3FAF]  }
0x28: {  	s2 =	sld [smem:$0x3FB0]  }
0x29: {  	s4 =	sld [smem:$0x3FB2]  }
0x2a: {  	p0 =	seq.s32 s5, $0x0;
	s5 =	sld [smem:$0x3FB3]  }
0x2b: {  	s6 =	sld [smem:$0x3FB4]  }
0x2c: {  	s7 =	sld [smem:$0x3FB5]  }
0x2d: {  	s3 =	simm.s32 $0x108;
	s8 =	sld [smem:$0x3FB6]  }
0x2e: {  	s3 =	simm.s32 @!p0 $0x1082;
	s9 =	sld [smem:$0x3FB7]  }
0x2f: {  	lr =	sadd.s32 s0, s3;
	s0 =	sld [smem:$0x3FAE]  }
0x30: {  	s3 =	sld [smem:$0x3FB1]  }
0x31: {  	[smem:$0x3FBA] =	sst s10  }
0x32: {  	s10 =	sld [smem:$0x3FB8];
	_ =	sdelay $0x3  }
0x33: {  	p0 =	seq.s32 s10, $0x1;
	s10 =	sld [smem:$0x3FBA];
	_ =	sdelay $0x3  }
0x34: {  	[smem:$0x3FBA] =	sst s10  }
0x35: {  	s10 =	sld [smem:$0x3FB9];
	_ =	sdelay $0x3  }
0x36: {  	p1 =	seq.s32 s10, $0x1;
	s10 =	sld [smem:$0x3FBA];
	_ =	sdelay $0x3  }
0x37: {  	[smem:$0x3FBA] =	sst s10  }
0x38: {  	s10 =	sld [smem:$0x3FBB]  }
0x39: {  	_ = 	snop;
	(pc) =	sbr.ind lr, $3  }
0x3a: {  	_ = 	snop  }
0x3b: {  	_ = 	snop  }
0x3c: {  	p2 =	seq.s32 s10, $0x1;
	s10 =	sld [smem:$0x3FBA]  }
0x3d: {  	_ =	shalt  }
0x3e: {  	_ =	shalt  }
0x3f: {  	_ =	shalt  }
0x40: {  	_ =	shalt  }
0x41: {  	_ =	shalt  }
0x42: {  	_ =	shalt  }
0x43: {  	_ =	shalt  }
0x44: {  	_ =	shalt  }
0x45: {  	_ =	shalt  }
0x46: {  	_ =	shalt  }
0x47: {  	_ =	shalt  }
0x48: {  	_ =	shalt  }
0x49: {  	_ =	shalt  }
0x4a: {  	_ =	shalt  }
0x4b: {  	_ =	shalt  }
0x4c: {  	_ =	shalt  }
0x4d: {  	_ =	shalt  }
0x4e: {  	_ =	shalt  }
0x4f: {  	_ =	shalt  }
0x50: {  	_ =	shalt  }
0x51: {  	_ =	shalt  }
0x52: {  	_ =	shalt  }
0x53: {  	_ =	shalt  }
0x54: {  	_ =	shalt  }
0x55: {  	_ =	shalt  }
0x56: {  	_ =	shalt  }
0x57: {  	_ =	shalt  }
0x58: {  	_ =	shalt  }
0x59: {  	_ =	shalt  }
0x5a: {  	_ =	shalt  }
0x5b: {  	_ =	shalt  }
0x5c: {  	_ =	shalt  }
0x5d: {  	_ =	shalt  }
0x5e: {  	_ =	shalt  }
0x5f: {  	_ =	shalt  }
0x60: {  	_ =	shalt  }
0x61: {  	_ =	shalt  }
0x62: {  	_ =	shalt  }
0x63: {  	_ =	shalt  }
0x64: {  	_ =	shalt  }
0x65: {  	_ =	shalt  }
0x66: {  	_ =	shalt  }
0x67: {  	_ =	shalt  }
0x68: {  	_ =	shalt  }
0x69: {  	_ =	shalt  }
0x6a: {  	_ =	shalt  }
0x6b: {  	_ =	shalt  }
0x6c: {  	_ =	shalt  }
0x6d: {  	_ =	shalt  }
0x6e: {  	_ =	shalt  }
0x6f: {  	_ =	shalt  }
0x70: {  	_ =	shalt  }
0x71: {  	_ =	shalt  }
0x72: {  	_ =	shalt  }
0x73: {  	_ =	shalt  }
0x74: {  	_ =	shalt  }
0x75: {  	_ =	shalt  }
0x76: {  	_ =	shalt  }
0x77: {  	_ =	shalt  }
0x78: {  	_ =	shalt  }
0x79: {  	_ =	shalt  }
0x7a: {  	_ =	shalt  }
0x7b: {  	_ =	shalt  }
0x7c: {  	_ =	shalt  }
0x7d: {  	_ =	shalt  }
0x7e: {  	_ =	shalt  }
0x7f: {  	_ =	shalt  }
0x80: {  	_ =	shalt  }
0x81: {  	_ =	shalt  }
0x82: {  	_ =	shalt  }
0x83: {  	_ =	shalt  }
0x84: {  	_ =	shalt  }
0x85: {  	_ =	shalt  }
0x86: {  	_ =	shalt  }
0x87: {  	_ =	shalt  }
.Lfunc_end0:
.L_simem_size_0:
called_computation_lowered:
.L_overlay_start_0:
0x88: {  	s2 =	sld [smem:$0x3FD9]  }
0x89: {  	s3 =	sld [smem:$0x3FFE];
	_ =	sdelay $0x1  }
0x8a: {  	s1 =	srdreg.scid  }
0x8b: {  	s0 =	sand.u32 $0x1, s1  }
0x8c: {  	s17 =	sshll.u32 s0, $0xA;
	s2 =	sadd.s32 s3, s2  }
0x8d: {  	s2 =	sadd.s32 s2, s17  }
0x8e: {  	[smem:$0x3FC6] =	sst s2  }
0x8f: {  	_ = 	snop  }
0x90: {  	s2 =	sld [smem:$0x3FD0];
	(tm) =	ssettm $0x1  }
0x91: {  	s18 =	sld [smem:$0x3FFB];
	_ =	sdelay $0x3  }
0x92: {  	_ =	strace s18  }
0x93: {  	s3 =	sld [smem:$0x3FFC];
	_ =	sdelay $0x3  }
0x94: {  	_ =	strace s3  }
0x95: {  	s3 =	sld [smem:$0x3FFD];
	_ =	sdelay $0x3  }
0x96: {  	_ =	strace s3  }
0x97: {  	_ =	strace $0x8FFFFFFF  }
0x98: {  	s19 =	sld [smem:$0x3FDB];
	_ =	sdelay $0x1  }
0x99: {  	s4 =	simm.s32 $_scs_section_size  }
0x9a: {  	s5 =	simm.s32 $_size__tile_overlayer_lowered;
	s6 =	simm.s32 $_tile_overlayer_lowered  }
0x9b: {  	s22 =	simm.s32 $0x1BFF;
	s21 =	sshll.u32 s6, $0x1;
	s3 =	sadd.s32 s4, s19  }
0x9c: {  	s7 =	simm.s32 $0x0;
	s20 =	sshll.u32 s5, $0x1;
	s5 =	sadd.s32 s21, s3  }
0x9d: {  	[timem:s7], [sflag:s22] =	dma.local [hbm:s5], s20  }
0x9e: {  	_ =	swait.ge [sflag:s22], s20  }
0x9f: {  	s4 =	ssub.s32 $0x0, s20;
	[sflag:s22] =	ssyncset.done $0x0  }
0xa0: {  	[sflag:s22] =	ssyncadd.s32 s4;
	_ =	sdelay $0x1  }
0xa1: {  	s23 =	simm.s32 $0x1B8B  }
0xa2: {  	_ =	swait.ge [sflag:s23], $0x1  }
0xa3: {  	[sflag:s23] =	ssyncset.done $0x0  }
0xa4: {  	s25 =	simm.s32 $0x1B8E;
	s24 =	sld [smem:$0x3FFE];
	[sflag:s23] =	ssyncadd.s32 $0xFFFFFFFF  }
0xa5: {  	s26 =	simm.s32 $execute0_lowered;
	[smem:$0x3FD2] =	sst s25  }
0xa6: {  	s5 =	sshll.u32 s26, $0x1;
	_ =	strace $0x80000046;
	[dreg:$0x1] =	wrdreg $0xFFFFFFFF  }
0xa7: {  	s28 =	simm.s32 $_size_execute0_lowered;
	s3 =	sadd.s32 s3, s5;
	[dreg:$0x0] =	wrdreg $0x0  }
0xa8: {  	s5 =	sshll.u32 s28, $0x1;
	[dreg:$0x2] =	wrdreg s3  }
0xa9: {  	[dreg:$0x3] =	wrdreg s5  }
0xaa: {  	[dreg:$0x4] =	wrdreg $0xC0  }
0xab: {  	_ =	task [dreg:s7], $0x5FFFF  }
0xac: {  	[dreg:$0x1] =	wrdreg $0xFFFFFFFF  }
0xad: {  	[dreg:$0x0] =	wrdreg $0x60  }
0xae: {  	[dreg:$0x2] =	wrdreg s24  }
0xaf: {  	[dreg:$0x3] =	wrdreg s2  }
0xb0: {  	[dreg:$0x4] =	wrdreg $0x9  }
0xb1: {  	_ =	task.clear_ibuf [dreg:s7], $0x5FFFF;
	_ =	strace $0x90000046  }
0xb2: {  	s29 =	simm.s32 $0x9;
	_ =	strace $0x80000048  }
0xb3: {  	_ =	swait.ge [sflag:s29], $0x1  }
0xb4: {  	[sflag:s29] =	ssyncadd.s32 $0xFFFFFFFF  }
0xb5: {  	_ =	strace $0x90000048  }
0xb6: {  	_ =	sfence  }
0xb7: {  	s30 =	sld [smem:$0x0];
	_ =	sdelay $0x2  }
0xb8: {  	s31 =	sshll.u32 s1, $0xD;
	s1 =	sshrl.u32 s1, $0x2  }
0xb9: {  	s3 =	sand.u32 $0x4000, s31;
	s1 =	sadd.s32 s1, s30  }
0xba: {  	s0 =	sor.u32 s3, s0;
	s1 =	sshll.u32 s1, $0x11  }
0xbb: {  	s0 =	sor.u32 s1, s0  }
0xbc: {  	s0 =	sadd.s32 $0x8F2B, s0  }
0xbd: {  	[sflag:s0] =	ssyncadd.remote.s32 $0x1  }
0xbe: {  	_ =	sfence.sel $0xFFFF  }
0xbf: {  	[dreg:$0x0] =	wrdreg $0xFFFFFFFF;
	(pc) =	sbr.abs _section_cstart, $3  }
0xc0: {  	[dreg:$0x1] =	wrdreg $0xFFFFFFFF  }
0xc1: {  	_ =	task.clear_ibuf [dreg:s7], $0x2FFFF;
	_ =	strace $0x9FFFFFFF  }
0xc2: {  	(tm) =	ssettm $0x7FFFFFFF  }
0xc3: {  	_ =	shalt  }
tec
execute0_lowered:
.L_overlay_start_1:
0x0: {  	(tag) =	ssettag $0x1  }
0x1: {  	s0 =	srdreg.scid  }
0x2: {  	s2 =	stileid.u32;
	s1 =	rddreg [dreg:$0x0]  }
0x3: {  	s4 =	rddreg [dreg:$0x1];
	s14 =	simm.s32 $0x9;
	s15 =	simm.s32 $0xD00  }
0x4: {  	s16 =	simm.s32 $0x1A0;
	s17 =	simm.s32 $0x7500;
	s19 =	simm.s32 $0xDD00  }
0x5: {  	s21 =	simm.s32 $0x14500;
	s22 =	simm.s32 $0x1;
	s23 =	simm.s32 $0x5  }
0x6: {  	s25 =	simm.s32 $0x2;
	s26 =	simm.s32 $0x6;
	s29 =	simm.s32 $0x3  }
0x7: {  	s30 =	simm.s32 $0x7;
	s0 =	sand.u32 $0x1, s0;
	s2 =	sshll.u32 s2, $0x1  }
0x8: {  	s31 =	simm.s32 $0x9C0;
	s18 =	simm.s32 $0xB60;
	s3 =	sor.u32 s0, s2  }
0x9: {  	s2 =	simm.s32 $0x0;
	s0 =	ssub.s32 $0x2, s0;
	s5 =	smul.u32 $0x1A0, s3  }
0xa: {  	[smem:$0x7FF] =	sst s2;
	s3 =	smul.u32 $0x34000, s3;
	s6 =	sshrl.u32 s0, $0x1  }
0xb: {  	s20 =	simm.s32 $0x0;
	_ =	strace $0x80000047;
	s0 =	ssub.s32 s0, s6  }
0xc: {  	s5 =	sadd.s32 s5, s1;
	s7 =	sshrl.u32 s3, $0x3;
	s3 =	sadd.s32 $0x3800, s1  }
0xd: {  	s13 =	smax.u32 s0, $0x1;
	s1 =	simm.s32 $0x4;
	s4 =	sadd.s32 s4, s7  }
0xe: {  	s0 =	simm.s32 $0x8;
	s5 =	sadd.s32 $0x400, s5;
	s6 =	sadd.s32 $0xD00, s4  }
0xf: {  	s7 =	sadd.s32 $0x1A00, s4;
	s8 =	sadd.s32 $0x2700, s4;
	s9 =	sadd.s32 $0x3400, s4  }
0x10: {  	v0 =	vlaneseq.u32;
	s10 =	sadd.s32 $0x4100, s4;
	s11 =	sadd.s32 $0x4E00, s4;
	s12 =	sadd.s32 $0x5B00, s4  }
.LBB2_1:
0x11: {  	v1 =	vor.u32 s2, v0  }
0x12: {  	v2 =	vmulhi.u32 $0x4EC4EC4F, v1  }
0x13: {  	[tilespmem:s2], [sflag:$0x9] =	stream.linear.gather [hbm4b:s5+s2], $0xD00, $0x38;
	[tilespmem:$0x1AD00] =	vst v63  }
0x14: {  	_ =	swait.ge [sflag:s14], $0xD00;
	v2 =	vshrl.u32 v2, $0x3  }
0x15: {  	[sflag:s14] =	ssyncset.done $0x0;
	v2 =	vmul.u32 $0x1A, v2  }
0x16: {  	[sflag:s14] =	ssyncadd.s32 $0xFFFFF300  }
0x17: {  	v3 =	vsub.s32 v1, v2;
	v2 =	vld [tilespmem:s2+$0x0];
	_ =	sdelay $0x1  }
0x18: {  	s24 =	simm.s32 $0x10  }
0x19: {  	s28 =	simm.s32 $0x20;
	v1 =	vor.u32 s24, v0;
	s24 =	simm.s32 $0x0;
	v3 =	vmul.u32 $0x3E8, v3  }
.LBB2_2:
0x1a: {  	p0 =	sne.s32 s28, $0x190;
	v4 =	vmulhi.u32 $0x4EC4EC4F, v1  }
0x1b: {  	v2 =	vadd.s32 v3, v2  }
.Ltmp0:
0x1c: {  	v3 =	vshrl.u32 v4, $0x3;
	[tilespmem:s24+$0x0] =	vst v2;
	s24 =	sadd.s32 $0x10, s24;
	(pc) =	sbr.rel @p0 .LBB2_2-.Ltmp0, $3  }
0x1d: {  	v2 =	vld [tilespmem:s24+$0x0];
	v3 =	vmul.u32 $0x1A, v3;
	_ =	sdelay $0x1  }
0x1e: {  	v3 =	vsub.s32 v1, v3  }
0x1f: {  	v1 =	vor.u32 s28, v0;
	s28 =	sadd.s32 $0x10, s28;
	v3 =	vmul.u32 $0x3E8, v3  }
0x20: {  	v4 =	vmulhi.u32 $0x4EC4EC4F, v1  }
0x21: {  	v2 =	vadd.s32 v3, v2  }
0x22: {  	s28 =	sadd.s32 $0x10, s24;
	v3 =	vshrl.u32 v4, $0x3;
	[tilespmem:s24+$0x0] =	vst v2  }
0x23: {  	v2 =	vld [tilespmem:s28+$0x0];
	v3 =	vmul.u32 $0x1A, v3;
	_ =	sdelay $0x1  }
0x24: {  	v1 =	vsub.s32 v1, v3  }
0x25: {  	s24 =	simm.s32 $0x1A0;
	v1 =	vmul.u32 $0x3E8, v1  }
0x26: {  	v3 =	vor.u32 s24, v0  }
0x27: {  	v4 =	vmulhi.u32 $0x4EC4EC4F, v3;
	v1 =	vadd.s32 v1, v2  }
0x28: {  	[tilespmem:s28+$0x0] =	vst v1  }
0x29: {  	v2 =	vshrl.u32 v4, $0x3;
	[tilespmem:s15], [sflag:$0x1] =	stream.indirect.gather [hbm4b:s3+s24], $0x40, s2, s24, $0xb8;
	[tilespmem:$0x1AD00] =	vst v63  }
0x2a: {  	v1 =	vmul.u32 $0x1A, v2;
	v2 =	vld [tilespmem:s24+$0x0];
	_ =	sdelay $0x1  }
0x2b: {  	s28 =	simm.s32 $0x1B0;
	v3 =	vsub.s32 v3, v1  }
0x2c: {  	v1 =	vor.u32 s28, v0;
	s28 =	simm.s32 $0x1C0;
	v3 =	vmul.u32 $0x3E8, v3  }
.LBB2_4:
0x2d: {  	p0 =	sne.s32 s28, $0x330;
	v4 =	vmulhi.u32 $0x4EC4EC4F, v1  }
0x2e: {  	v2 =	vadd.s32 v3, v2  }
.Ltmp1:
0x2f: {  	v3 =	vshrl.u32 v4, $0x3;
	[tilespmem:s24+$0x0] =	vst v2;
	s24 =	sadd.s32 $0x10, s24;
	(pc) =	sbr.rel @p0 .LBB2_4-.Ltmp1, $3  }
0x30: {  	v2 =	vld [tilespmem:s24+$0x0];
	v3 =	vmul.u32 $0x1A, v3;
	_ =	sdelay $0x1  }
0x31: {  	v3 =	vsub.s32 v1, v3  }
0x32: {  	v1 =	vor.u32 s28, v0;
	s28 =	sadd.s32 $0x10, s28;
	v3 =	vmul.u32 $0x3E8, v3  }
0x33: {  	v4 =	vmulhi.u32 $0x4EC4EC4F, v1  }
0x34: {  	v2 =	vadd.s32 v3, v2  }
0x35: {  	s28 =	sadd.s32 $0x10, s24;
	v3 =	vshrl.u32 v4, $0x3;
	[tilespmem:s24+$0x0] =	vst v2  }
0x36: {  	v2 =	vld [tilespmem:s28+$0x0];
	v3 =	vmul.u32 $0x1A, v3;
	_ =	sdelay $0x1  }
0x37: {  	v1 =	vsub.s32 v1, v3  }
0x38: {  	s24 =	simm.s32 $0x340;
	v1 =	vmul.u32 $0x3E8, v1  }
0x39: {  	v3 =	vor.u32 s24, v0  }
0x3a: {  	v4 =	vmulhi.u32 $0x4EC4EC4F, v3;
	v1 =	vadd.s32 v1, v2  }
0x3b: {  	[tilespmem:s28+$0x0] =	vst v1  }
0x3c: {  	v2 =	vshrl.u32 v4, $0x3;
	[tilespmem:s17], [sflag:$0x2] =	stream.indirect.gather [hbm4b:s3+s16], $0x40, s16, s16, $0xb8;
	[tilespmem:$0x1AD00] =	vst v63  }
0x3d: {  	v1 =	vmul.u32 $0x1A, v2;
	v2 =	vld [tilespmem:s24+$0x0];
	_ =	sdelay $0x1  }
0x3e: {  	s28 =	simm.s32 $0x350;
	v3 =	vsub.s32 v3, v1  }
0x3f: {  	v1 =	vor.u32 s28, v0;
	s28 =	simm.s32 $0x360;
	v3 =	vmul.u32 $0x3E8, v3  }
.LBB2_6:
0x40: {  	p0 =	sne.s32 s28, $0x4D0;
	v4 =	vmulhi.u32 $0x4EC4EC4F, v1  }
0x41: {  	v2 =	vadd.s32 v3, v2  }
.Ltmp2:
0x42: {  	v3 =	vshrl.u32 v4, $0x3;
	[tilespmem:s24+$0x0] =	vst v2;
	s24 =	sadd.s32 $0x10, s24;
	(pc) =	sbr.rel @p0 .LBB2_6-.Ltmp2, $3  }
0x43: {  	v2 =	vld [tilespmem:s24+$0x0];
	v3 =	vmul.u32 $0x1A, v3;
	_ =	sdelay $0x1  }
0x44: {  	v3 =	vsub.s32 v1, v3  }
0x45: {  	v1 =	vor.u32 s28, v0;
	s28 =	sadd.s32 $0x10, s28;
	v3 =	vmul.u32 $0x3E8, v3  }
0x46: {  	v4 =	vmulhi.u32 $0x4EC4EC4F, v1  }
0x47: {  	v2 =	vadd.s32 v3, v2  }
0x48: {  	s28 =	sadd.s32 $0x10, s24;
	v3 =	vshrl.u32 v4, $0x3;
	[tilespmem:s24+$0x0] =	vst v2  }
0x49: {  	v2 =	vld [tilespmem:s28+$0x0];
	v3 =	vmul.u32 $0x1A, v3;
	_ =	sdelay $0x1  }
0x4a: {  	v1 =	vsub.s32 v1, v3  }
0x4b: {  	s24 =	simm.s32 $0x4E0;
	v1 =	vmul.u32 $0x3E8, v1  }
0x4c: {  	v3 =	vor.u32 s24, v0  }
0x4d: {  	v4 =	vmulhi.u32 $0x4EC4EC4F, v3;
	v1 =	vadd.s32 v1, v2  }
0x4e: {  	[tilespmem:s28+$0x0] =	vst v1;
	s28 =	simm.s32 $0x340  }
0x4f: {  	v2 =	vshrl.u32 v4, $0x3;
	[tilespmem:s19], [sflag:$0x3] =	stream.indirect.gather [hbm4b:s3+s16], $0x40, s28, s16, $0xb8;
	[tilespmem:$0x1AD00] =	vst v63  }
0x50: {  	v1 =	vmul.u32 $0x1A, v2;
	v2 =	vld [tilespmem:s24+$0x0];
	_ =	sdelay $0x1  }
0x51: {  	s28 =	simm.s32 $0x4F0;
	v3 =	vsub.s32 v3, v1  }
0x52: {  	v1 =	vor.u32 s28, v0;
	s28 =	simm.s32 $0x500;
	v3 =	vmul.u32 $0x3E8, v3  }
.LBB2_8:
0x53: {  	p0 =	sne.s32 s28, $0x670;
	v4 =	vmulhi.u32 $0x4EC4EC4F, v1  }
0x54: {  	v2 =	vadd.s32 v3, v2  }
.Ltmp3:
0x55: {  	v3 =	vshrl.u32 v4, $0x3;
	[tilespmem:s24+$0x0] =	vst v2;
	s24 =	sadd.s32 $0x10, s24;
	(pc) =	sbr.rel @p0 .LBB2_8-.Ltmp3, $3  }
0x56: {  	v2 =	vld [tilespmem:s24+$0x0];
	v3 =	vmul.u32 $0x1A, v3;
	_ =	sdelay $0x1  }
0x57: {  	v3 =	vsub.s32 v1, v3  }
0x58: {  	v1 =	vor.u32 s28, v0;
	s28 =	sadd.s32 $0x10, s28;
	v3 =	vmul.u32 $0x3E8, v3  }
0x59: {  	v4 =	vmulhi.u32 $0x4EC4EC4F, v1  }
0x5a: {  	v2 =	vadd.s32 v3, v2  }
0x5b: {  	s28 =	sadd.s32 $0x10, s24;
	v3 =	vshrl.u32 v4, $0x3;
	[tilespmem:s24+$0x0] =	vst v2  }
0x5c: {  	v2 =	vld [tilespmem:s28+$0x0];
	v3 =	vmul.u32 $0x1A, v3;
	_ =	sdelay $0x1  }
0x5d: {  	v1 =	vsub.s32 v1, v3  }
0x5e: {  	v1 =	vmul.u32 $0x3E8, v1;
	_ =	sdelay $0x1  }
0x5f: {  	s24 =	simm.s32 $0x680;
	v1 =	vadd.s32 v1, v2  }
0x60: {  	[tilespmem:s28+$0x0] =	vst v1;
	v1 =	vor.u32 s24, v0;
	s28 =	simm.s32 $0x4E0  }
0x61: {  	[tilespmem:s21], [sflag:$0x4] =	stream.indirect.gather [hbm4b:s3+s16], $0x40, s28, s16, $0xb8;
	v2 =	vmulhi.u32 $0x4EC4EC4F, v1;
	[tilespmem:$0x1AD00] =	vst v63  }
0x62: {  	_ =	swait.ge [sflag:s22], $0x6800  }
0x63: {  	[sflag:s22] =	ssyncset.done $0x0;
	v2 =	vshrl.u32 v2, $0x3  }
0x64: {  	[sflag:s22] =	ssyncadd.s32 $0xFFFF9800;
	v2 =	vmul.u32 $0x1A, v2  }
0x65: {  	[hbm4b:s4+s2] =	stream.linear.scatter [tilespmem:s15], [sflag:$0x5], $0x6800, $0x38;
	[tilespmem:$0x1AD00] =	vst v63  }
0x66: {  	v3 =	vsub.s32 v1, v2;
	v2 =	vld [tilespmem:s24+$0x0];
	_ =	sdelay $0x1  }
0x67: {  	s28 =	simm.s32 $0x690  }
0x68: {  	v1 =	vor.u32 s28, v0;
	s28 =	simm.s32 $0x6A0;
	v3 =	vmul.u32 $0x3E8, v3  }
.LBB2_10:
0x69: {  	p0 =	sne.s32 s28, $0x810;
	v4 =	vmulhi.u32 $0x4EC4EC4F, v1  }
0x6a: {  	v2 =	vadd.s32 v3, v2  }
.Ltmp4:
0x6b: {  	v3 =	vshrl.u32 v4, $0x3;
	[tilespmem:s24+$0x0] =	vst v2;
	s24 =	sadd.s32 $0x10, s24;
	(pc) =	sbr.rel @p0 .LBB2_10-.Ltmp4, $3  }
0x6c: {  	v2 =	vld [tilespmem:s24+$0x0];
	v3 =	vmul.u32 $0x1A, v3;
	_ =	sdelay $0x1  }
0x6d: {  	v3 =	vsub.s32 v1, v3  }
0x6e: {  	v1 =	vor.u32 s28, v0;
	s28 =	sadd.s32 $0x10, s28;
	v3 =	vmul.u32 $0x3E8, v3  }
0x6f: {  	v4 =	vmulhi.u32 $0x4EC4EC4F, v1  }
0x70: {  	v2 =	vadd.s32 v3, v2  }
0x71: {  	v3 =	vshrl.u32 v4, $0x3;
	[tilespmem:s24+$0x0] =	vst v2;
	s24 =	sadd.s32 $0x10, s24  }
0x72: {  	v2 =	vld [tilespmem:s24+$0x0];
	v3 =	vmul.u32 $0x1A, v3;
	_ =	sdelay $0x1  }
0x73: {  	v1 =	vsub.s32 v1, v3  }
0x74: {  	v1 =	vmul.u32 $0x3E8, v1;
	_ =	sdelay $0x1  }
0x75: {  	v1 =	vadd.s32 v1, v2  }
0x76: {  	[tilespmem:s24+$0x0] =	vst v1  }
0x77: {  	_ =	swait.ge [sflag:s23], $0x6800  }
0x78: {  	s24 =	simm.s32 $0x820;
	[sflag:s23] =	ssyncset.done $0x0  }
0x79: {  	s28 =	simm.s32 $0x680;
	v1 =	vor.u32 s24, v0;
	[sflag:s23] =	ssyncadd.s32 $0xFFFF9800  }
0x7a: {  	v2 =	vmulhi.u32 $0x4EC4EC4F, v1;
	[tilespmem:s15], [sflag:$0x1] =	stream.indirect.gather [hbm4b:s3+s16], $0x40, s28, s16, $0xb8;
	[tilespmem:$0x1AD00] =	vst v63  }
0x7b: {  	_ =	swait.ge [sflag:s25], $0x6800  }
0x7c: {  	v2 =	vshrl.u32 v2, $0x3;
	[sflag:s25] =	ssyncset.done $0x0  }
0x7d: {  	v2 =	vmul.u32 $0x1A, v2;
	[sflag:s25] =	ssyncadd.s32 $0xFFFF9800  }
0x7e: {  	[hbm4b:s6+s2] =	stream.linear.scatter [tilespmem:s17], [sflag:$0x6], $0x6800, $0x38;
	[tilespmem:$0x1AD00] =	vst v63  }
0x7f: {  	v3 =	vsub.s32 v1, v2;
	v2 =	vld [tilespmem:s24+$0x0];
	_ =	sdelay $0x1  }
0x80: {  	s28 =	simm.s32 $0x830  }
0x81: {  	v1 =	vor.u32 s28, v0;
	s28 =	simm.s32 $0x840;
	v3 =	vmul.u32 $0x3E8, v3  }
.LBB2_12:
0x82: {  	p0 =	sne.s32 s28, $0x9B0;
	v4 =	vmulhi.u32 $0x4EC4EC4F, v1  }
0x83: {  	v2 =	vadd.s32 v3, v2  }
.Ltmp5:
0x84: {  	v3 =	vshrl.u32 v4, $0x3;
	[tilespmem:s24+$0x0] =	vst v2;
	s24 =	sadd.s32 $0x10, s24;
	(pc) =	sbr.rel @p0 .LBB2_12-.Ltmp5, $3  }
0x85: {  	v2 =	vld [tilespmem:s24+$0x0];
	v3 =	vmul.u32 $0x1A, v3;
	_ =	sdelay $0x1  }
0x86: {  	v3 =	vsub.s32 v1, v3  }
0x87: {  	v1 =	vor.u32 s28, v0;
	s28 =	sadd.s32 $0x10, s28;
	v3 =	vmul.u32 $0x3E8, v3  }
0x88: {  	v4 =	vmulhi.u32 $0x4EC4EC4F, v1  }
0x89: {  	v2 =	vadd.s32 v3, v2  }
0x8a: {  	v3 =	vshrl.u32 v4, $0x3;
	[tilespmem:s24+$0x0] =	vst v2;
	s24 =	sadd.s32 $0x10, s24  }
0x8b: {  	v2 =	vld [tilespmem:s24+$0x0];
	v3 =	vmul.u32 $0x1A, v3;
	_ =	sdelay $0x1  }
0x8c: {  	v1 =	vsub.s32 v1, v3  }
0x8d: {  	v1 =	vmul.u32 $0x3E8, v1;
	_ =	sdelay $0x1  }
0x8e: {  	v1 =	vadd.s32 v1, v2  }
0x8f: {  	[tilespmem:s24+$0x0] =	vst v1  }
0x90: {  	_ =	swait.ge [sflag:s26], $0x6800  }
0x91: {  	s24 =	simm.s32 $0x9C0;
	[sflag:s26] =	ssyncset.done $0x0  }
0x92: {  	s28 =	simm.s32 $0x820;
	v1 =	vor.u32 s24, v0;
	[sflag:s26] =	ssyncadd.s32 $0xFFFF9800  }
0x93: {  	v2 =	vmulhi.u32 $0x4EC4EC4F, v1;
	[tilespmem:s17], [sflag:$0x2] =	stream.indirect.gather [hbm4b:s3+s16], $0x40, s28, s16, $0xb8;
	[tilespmem:$0x1AD00] =	vst v63  }
0x94: {  	_ =	swait.ge [sflag:s29], $0x6800  }
0x95: {  	v2 =	vshrl.u32 v2, $0x3;
	[sflag:s29] =	ssyncset.done $0x0  }
0x96: {  	v2 =	vmul.u32 $0x1A, v2;
	[sflag:s29] =	ssyncadd.s32 $0xFFFF9800  }
0x97: {  	[hbm4b:s7+s2] =	stream.linear.scatter [tilespmem:s19], [sflag:$0x7], $0x6800, $0x38;
	[tilespmem:$0x1AD00] =	vst v63  }
0x98: {  	v3 =	vsub.s32 v1, v2;
	v2 =	vld [tilespmem:s24+$0x0];
	_ =	sdelay $0x1  }
0x99: {  	s28 =	simm.s32 $0x9D0  }
0x9a: {  	v1 =	vor.u32 s28, v0;
	s28 =	simm.s32 $0x9E0;
	v3 =	vmul.u32 $0x3E8, v3  }
.LBB2_14:
0x9b: {  	p0 =	sne.s32 s28, $0xB50;
	v4 =	vmulhi.u32 $0x4EC4EC4F, v1  }
0x9c: {  	v2 =	vadd.s32 v3, v2  }
.Ltmp6:
0x9d: {  	v3 =	vshrl.u32 v4, $0x3;
	[tilespmem:s24+$0x0] =	vst v2;
	s24 =	sadd.s32 $0x10, s24;
	(pc) =	sbr.rel @p0 .LBB2_14-.Ltmp6, $3  }
0x9e: {  	v2 =	vld [tilespmem:s24+$0x0];
	v3 =	vmul.u32 $0x1A, v3;
	_ =	sdelay $0x1  }
0x9f: {  	v3 =	vsub.s32 v1, v3  }
0xa0: {  	v1 =	vor.u32 s28, v0;
	s28 =	sadd.s32 $0x10, s28;
	v3 =	vmul.u32 $0x3E8, v3  }
0xa1: {  	v4 =	vmulhi.u32 $0x4EC4EC4F, v1  }
0xa2: {  	v2 =	vadd.s32 v3, v2  }
0xa3: {  	v3 =	vshrl.u32 v4, $0x3;
	[tilespmem:s24+$0x0] =	vst v2;
	s24 =	sadd.s32 $0x10, s24  }
0xa4: {  	v2 =	vld [tilespmem:s24+$0x0];
	v3 =	vmul.u32 $0x1A, v3;
	_ =	sdelay $0x1  }
0xa5: {  	v1 =	vsub.s32 v1, v3  }
0xa6: {  	v1 =	vmul.u32 $0x3E8, v1;
	_ =	sdelay $0x1  }
0xa7: {  	v1 =	vadd.s32 v1, v2  }
0xa8: {  	[tilespmem:s24+$0x0] =	vst v1  }
0xa9: {  	_ =	swait.ge [sflag:s30], $0x6800  }
0xaa: {  	s24 =	simm.s32 $0xB60;
	[sflag:s30] =	ssyncset.done $0x0  }
0xab: {  	v1 =	vor.u32 s24, v0;
	[sflag:s30] =	ssyncadd.s32 $0xFFFF9800  }
0xac: {  	v2 =	vmulhi.u32 $0x4EC4EC4F, v1;
	[tilespmem:s19], [sflag:$0x3] =	stream.indirect.gather [hbm4b:s3+s16], $0x40, s31, s16, $0xb8;
	[tilespmem:$0x1AD00] =	vst v63  }
0xad: {  	_ =	swait.ge [sflag:s1], $0x6800  }
0xae: {  	v2 =	vshrl.u32 v2, $0x3;
	[sflag:s1] =	ssyncset.done $0x0  }
0xaf: {  	v2 =	vmul.u32 $0x1A, v2;
	[sflag:s1] =	ssyncadd.s32 $0xFFFF9800  }
0xb0: {  	[hbm4b:s8+s2] =	stream.linear.scatter [tilespmem:s21], [sflag:$0x8], $0x6800, $0x38;
	[tilespmem:$0x1AD00] =	vst v63  }
0xb1: {  	v3 =	vsub.s32 v1, v2;
	v2 =	vld [tilespmem:s24+$0x0];
	_ =	sdelay $0x1  }
0xb2: {  	s28 =	simm.s32 $0xB70  }
0xb3: {  	v1 =	vor.u32 s28, v0;
	s28 =	simm.s32 $0xB80;
	v3 =	vmul.u32 $0x3E8, v3  }
.LBB2_16:
0xb4: {  	p0 =	sne.s32 s28, $0xCF0;
	v4 =	vmulhi.u32 $0x4EC4EC4F, v1  }
0xb5: {  	v2 =	vadd.s32 v3, v2  }
.Ltmp7:
0xb6: {  	v3 =	vshrl.u32 v4, $0x3;
	[tilespmem:s24+$0x0] =	vst v2;
	s24 =	sadd.s32 $0x10, s24;
	(pc) =	sbr.rel @p0 .LBB2_16-.Ltmp7, $3  }
0xb7: {  	v2 =	vld [tilespmem:s24+$0x0];
	v3 =	vmul.u32 $0x1A, v3;
	_ =	sdelay $0x1  }
0xb8: {  	v3 =	vsub.s32 v1, v3  }
0xb9: {  	v1 =	vor.u32 s28, v0;
	s28 =	sadd.s32 $0x10, s28;
	v3 =	vmul.u32 $0x3E8, v3  }
0xba: {  	v4 =	vmulhi.u32 $0x4EC4EC4F, v1  }
0xbb: {  	v2 =	vadd.s32 v3, v2  }
0xbc: {  	s28 =	sadd.s32 $0x10, s24;
	v3 =	vshrl.u32 v4, $0x3;
	[tilespmem:s24+$0x0] =	vst v2  }
0xbd: {  	v2 =	vld [tilespmem:s28+$0x0];
	v3 =	vmul.u32 $0x1A, v3;
	_ =	sdelay $0x1  }
0xbe: {  	v1 =	vsub.s32 v1, v3  }
0xbf: {  	v1 =	vmul.u32 $0x3E8, v1;
	_ =	sdelay $0x1  }
0xc0: {  	v1 =	vadd.s32 v1, v2  }
0xc1: {  	[tilespmem:s28+$0x0] =	vst v1  }
0xc2: {  	_ =	swait.ge [sflag:s0], $0x6800  }
0xc3: {  	[sflag:s0] =	ssyncset.done $0x0  }
0xc4: {  	[sflag:s0] =	ssyncadd.s32 $0xFFFF9800  }
0xc5: {  	[tilespmem:s21], [sflag:$0x4] =	stream.indirect.gather [hbm4b:s3+s16], $0x40, s18, s16, $0xb8;
	[tilespmem:$0x1AD00] =	vst v63  }
0xc6: {  	_ =	swait.ge [sflag:s22], $0x6800  }
0xc7: {  	[sflag:s22] =	ssyncset.done $0x0  }
0xc8: {  	[sflag:s22] =	ssyncadd.s32 $0xFFFF9800  }
0xc9: {  	[hbm4b:s9+s2] =	stream.linear.scatter [tilespmem:s15], [sflag:$0x5], $0x6800, $0x38;
	[tilespmem:$0x1AD00] =	vst v63  }
0xca: {  	_ =	swait.ge [sflag:s25], $0x6800  }
0xcb: {  	[sflag:s25] =	ssyncset.done $0x0  }
0xcc: {  	[sflag:s25] =	ssyncadd.s32 $0xFFFF9800  }
0xcd: {  	[hbm4b:s10+s2] =	stream.linear.scatter [tilespmem:s17], [sflag:$0x6], $0x6800, $0x38;
	[tilespmem:$0x1AD00] =	vst v63  }
0xce: {  	_ =	swait.ge [sflag:s29], $0x6800  }
0xcf: {  	[sflag:s29] =	ssyncset.done $0x0  }
0xd0: {  	[sflag:s29] =	ssyncadd.s32 $0xFFFF9800  }
0xd1: {  	[hbm4b:s11+s2] =	stream.linear.scatter [tilespmem:s19], [sflag:$0x7], $0x6800, $0x38;
	[tilespmem:$0x1AD00] =	vst v63  }
0xd2: {  	_ =	swait.ge [sflag:s1], $0x6800  }
0xd3: {  	[sflag:s1] =	ssyncset.done $0x0  }
0xd4: {  	[sflag:s1] =	ssyncadd.s32 $0xFFFF9800  }
0xd5: {  	[hbm4b:s12+s2] =	stream.linear.scatter [tilespmem:s21], [sflag:$0x8], $0x6800, $0x38;
	[tilespmem:$0x1AD00] =	vst v63  }
0xd6: {  	_ =	swait.ge [sflag:s23], $0x6800  }
0xd7: {  	[sflag:s23] =	ssyncset.done $0x0  }
0xd8: {  	[sflag:s23] =	ssyncadd.s32 $0xFFFF9800  }
0xd9: {  	_ =	swait.ge [sflag:s26], $0x6800  }
0xda: {  	[sflag:s26] =	ssyncset.done $0x0  }
0xdb: {  	s20 =	sadd.s32 $0x1, s20;
	[sflag:s26] =	ssyncadd.s32 $0xFFFF9800  }
0xdc: {  	p0 =	sne.s32 s20, s13;
	_ =	swait.ge [sflag:s30], $0x6800  }
.Ltmp8:
0xdd: {  	[sflag:s30] =	ssyncset.done $0x0;
	(pc) =	sbr.rel @p0 .LBB2_1-.Ltmp8, $4  }
0xde: {  	[sflag:s30] =	ssyncadd.s32 $0xFFFF9800  }
0xdf: {  	_ =	swait.ge [sflag:s0], $0x6800  }
0xe0: {  	[sflag:s0] =	ssyncset.done $0x0  }
0xe1: {  	[sflag:s0] =	ssyncadd.s32 $0xFFFF9800  }
0xe2: {  	_ =	sfence.sel $0x180000  }
0xe3: {  	[bflag:$0x0] =	sbarrier.arrive $0xFFFF  }
0xe4: {  	_ =	strace $0x90000047  }
0xe5: {  	s0 =	stileid.u32;
	[bflag:$0x2] =	sbarrier.arrive $0xFFFF  }
0xe6: {  	p0 =	sne.s32 s0, $0x0;
	s0 =	rddreg [dreg:$0x2]  }
0xe7: {  	s0 =	sadd.s32 @!p0 $0x100000, s0  }
0xe8: {  	[sflag:s0] =	ssyncadd.tile.s32 @!p0 $0x1;
	_ =	shalt  }
.Lfunc_end2:
_tile_overlayer_lowered:
.L_overlay_start_2:
0xe9: {  	(tag) =	ssettag $0x2  }
0xea: {  	s0 =	rddreg [dreg:$0x0];
	s2 =	stileid.u32  }
0xeb: {  	s1 =	rddreg [dreg:$0x1];
	p0 =	sne.s32 s2, $0x0  }
0xec: {  	s3 =	rddreg [dreg:$0x2];
	[bflag:$0x3] =	sbarrier.arrive $0xFFFF;
	s2 =	simm.s32 @!p0 $0x1C09  }
0xed: {  	[timem:s3], [sflag:s2] =	dma.local @!p0 [hbm:s0], s1  }
0xee: {  	s0 =	simm.s32 @!p0 $0x9  }
0xef: {  	_ =	swait.ge @!p0 [sflag:s0], s1  }
0xf0: {  	s1 =	ssub.s32 @!p0 $0x0, s1;
	[sflag:s0] =	ssyncset.done @!p0 $0x0  }
0xf1: {  	[sflag:s0] =	ssyncadd.s32 @!p0 s1  }
0xf2: {  	[bflag:$0x3] =	sbarrier.arrive $0xFFFF  }
0xf3: {  	_ =	shalt  }

</sc_bundles>
